<compile_context>
chip_gen: v7x
topology: tpu7x:2x2x1
jax: 0.10.2.dev20260603
libtpu: 0.0.44.dev20260713+nightly
codegen_flags: <defaults>
</compile_context>

<pallas_src>
import functools

import jax
import jax.numpy as jnp
from jax import lax
from jax.experimental import pallas as pl
from jax.experimental.pallas import tpu as pltpu
from jax.experimental.pallas import tpu_sc as plsc

NUM_EMB = 1000000
D = 64
BATCH = 4096
SEQ = 200
B_TOTAL = BATCH * SEQ
NC = 2
NS = 16
NW = NC * NS
BBLK = BATCH // NW
SP = 4
NSTEP = SEQ // SP
NBUF = 2
NGROUP = NSTEP // NBUF


def _embed_body(idxt_hbm, table_hbm, out_hbm, idx_v, rows_v, gsems, ssems):
    wid = lax.axis_index("s") * NC + lax.axis_index("c")
    b0 = wid * BBLK
    pltpu.sync_copy(idxt_hbm.at[:, pl.ds(b0, BBLK)], idx_v)

    def fire_gather(step, b):
        for j in range(SP):
            pltpu.async_copy(
                table_hbm.at[idx_v.at[step * SP + j, pl.ds(0, BBLK)]],
                rows_v.at[b, pl.ds(j * BBLK, BBLK)],
                gsems[b],
            )

    def wait_gather(b):
        pltpu.make_async_copy(
            table_hbm.at[pl.ds(0, SP * BBLK)], rows_v.at[b], gsems[b]
        ).wait()

    def fire_store(step, b):
        for j in range(SP):
            pltpu.async_copy(
                rows_v.at[b, pl.ds(j * BBLK, BBLK)],
                out_hbm.at[pl.ds((step * SP + j) * BATCH + b0, BBLK), pl.ds(0, D)],
                ssems[b],
            )

    def wait_store(b):
        pltpu.make_async_copy(
            rows_v.at[b], out_hbm.at[pl.ds(0, SP * BBLK), pl.ds(0, D)], ssems[b]
        ).wait()

    for b in range(NBUF):
        fire_gather(b, b)

    def group(g, carry):
        for b in range(NBUF):
            step = g * NBUF + b
            wait_gather(b)
            fire_store(step, b)
            wait_store(b)
            fire_gather(step + NBUF, b)
        return carry

    lax.fori_loop(0, NGROUP - 1, group, 0)

    for b in range(NBUF):
        step = (NGROUP - 1) * NBUF + b
        wait_gather(b)
        fire_store(step, b)
    for b in range(NBUF):
        wait_store(b)


@jax.jit
def _embed(idxt, embedding):
    mesh = plsc.VectorSubcoreMesh(
        core_axis_name="c", subcore_axis_name="s", num_cores=NC, num_subcores=NS
    )
    return pl.kernel(
        _embed_body,
        out_type=jax.ShapeDtypeStruct((B_TOTAL, 128), jnp.float32),
        mesh=mesh,
        scratch_types=[
            pltpu.VMEM((SEQ, BBLK), jnp.int32),
            pltpu.VMEM((NBUF, SP * BBLK, D), jnp.float32),
            [pltpu.SemaphoreType.DMA] * NBUF,
            [pltpu.SemaphoreType.DMA] * NBUF,
        ],
        compiler_params=pltpu.CompilerParams(use_tc_tiling_on_sc=False),
    )(idxt, embedding)


def kernel(inputs, embedding):
    idxt = jnp.transpose(inputs)
    out = _embed(idxt, embedding)
    return out[:, :D].reshape(SEQ, BATCH, D).transpose(1, 0, 2)

# --- scband reference (transcript-rebuilt; emitter-appended) ---
"""Pipeline reference for scband-embed-80092550135980 (READ-ONLY COPY).

The authoritative reference and input builder live on the scoring server;
editing this copy changes nothing except your own understanding.
"""

import jax, jax.numpy as jnp
import numpy as np

NUM_EMBEDDINGS = 1000000
NUM_FEATURES = 64
BATCH = 4096
SEQ = 200


def setup_inputs(seed: int = 0) -> dict:
    key = jax.random.key(seed)
    k_idx, k_emb = jax.random.split(key)
    inputs = jax.random.randint(k_idx, (BATCH, SEQ), 0, NUM_EMBEDDINGS, dtype=jnp.int32)
    # Embedding table param (default_embed_init ~ normal scaled), stored fp32
    embedding = (jax.random.normal(k_emb, (NUM_EMBEDDINGS, NUM_FEATURES), dtype=jnp.float32) * 0.02)
    return {"inputs": inputs, "embedding": embedding}


def reference(inputs, embedding):
    # Faithful translation of Embed.__call__ with use_iota_embed=False,
    # no input-dtype cast, no host offload: cast table to self.dtype then gather.
    emb = jnp.asarray(embedding, jnp.float32)
    output = jnp.take(emb, inputs, axis=0)  # embedding.at[inputs].get()
    return output

if __name__ == "__main__":
    import jax
    _d = setup_inputs()
    print(jax.jit(kernel)(*tuple(_d.values())))

</pallas_src>

<mosaic_0001>
#map = affine_map<(d0, d1) -> (0, 0)>
module attributes {stable_mosaic.version = 14 : i64} {
  func.func @_embed_body(%arg0: i32, %arg1: i32, %arg2: memref<200x4096xi32, #tpu.memory_space<hbm>>, %arg3: memref<1000000x64xf32, #tpu.memory_space<hbm>>, %arg4: memref<819200x128xf32, #tpu.memory_space<hbm>>, %arg5: memref<200x128xi32, #tpu.memory_space<vmem>>, %arg6: memref<2x512x64xf32, #tpu.memory_space<vmem>>, %arg7: memref<!tpu.dma_semaphore, #tpu.memory_space<semaphore_mem>>, %arg8: memref<!tpu.dma_semaphore, #tpu.memory_space<semaphore_mem>>, %arg9: memref<!tpu.dma_semaphore, #tpu.memory_space<semaphore_mem>>, %arg10: memref<!tpu.dma_semaphore, #tpu.memory_space<semaphore_mem>>) attributes {dimension_semantics = [#tpu.dimension_semantics<core_parallel>, #tpu.dimension_semantics<subcore_parallel>], iteration_bounds = array<i64: 2, 16>, scalar_prefetch = 0 : i64, scratch_operands = 6 : i64, tpu.core_type = #tpu.core_type<sc_vector_subcore>, window_params = [{transform_indices = #map}, {transform_indices = #map}, {transform_indices = #map}]} {
    %mul3A = arith.constant 2 : i32
    %mul3A_0 = arith.muli %arg1, %mul3A : i32
    %add3A = arith.addi %mul3A_0, %arg0 : i32
    %mul3A_1 = arith.constant 128 : i32
    %mul3A_2 = arith.muli %add3A, %mul3A_1 : i32
    "tpu.region"() ({
      %run_scoped3A = tpu.sem_alloc : memref<!tpu.dma_semaphore, #tpu.memory_space<semaphore_mem>>
      %dma_start3A_282 = arith.constant 0 : i32
      %dma_start3A_283 = tpu.memref_slice %arg2[%dma_start3A_282, %mul3A_2] : memref<200x4096xi32, #tpu.memory_space<hbm>> -> memref<200x128xi32, #tpu.memory_space<hbm>>
      %dma_start3A_284 = arith.constant 0 : i32
      %dma_start3A_285 = tpu.memref_slice %arg2[%dma_start3A_284, %mul3A_2] : memref<200x4096xi32, #tpu.memory_space<hbm>> -> memref<200x128xi32, #tpu.memory_space<hbm>>
      tpu.enqueue_dma source(%dma_start3A_285 : memref<200x128xi32, #tpu.memory_space<hbm>>) target(%arg5 : memref<200x128xi32, #tpu.memory_space<vmem>>) target_semaphore(%run_scoped3A : memref<!tpu.dma_semaphore, #tpu.memory_space<semaphore_mem>>)
      %dma_wait3A_286 = arith.constant 0 : i32
      %dma_wait3A_287 = tpu.memref_slice %arg2[%dma_wait3A_286, %mul3A_2] : memref<200x4096xi32, #tpu.memory_space<hbm>> -> memref<200x128xi32, #tpu.memory_space<hbm>>
      %dma_wait3A_288 = arith.constant 0 : i32
      %dma_wait3A_289 = tpu.memref_slice %arg2[%dma_wait3A_288, %mul3A_2] : memref<200x4096xi32, #tpu.memory_space<hbm>> -> memref<200x128xi32, #tpu.memory_space<hbm>>
      tpu.wait_dma2 semaphore(%run_scoped3A : memref<!tpu.dma_semaphore, #tpu.memory_space<semaphore_mem>>) src(%dma_wait3A_289 : memref<200x128xi32, #tpu.memory_space<hbm>>) dst(%arg5 : memref<200x128xi32, #tpu.memory_space<vmem>>)
      tpu.yield
    }) : () -> ()
    %dma_start3A = arith.constant 0 : i32
    %dma_start3A_3 = arith.constant 0 : i32
    %dma_start3A_4 = arith.constant 0 : i32
    %dma_start3A_5 = arith.constant 0 : i32
    %dma_start3A_6 = tpu.memref_slice %arg6[%dma_start3A_3, %dma_start3A_4, %dma_start3A_5] : memref<2x512x64xf32, #tpu.memory_space<vmem>> -> memref<1x128x64xf32, #tpu.memory_space<vmem>>
    %dma_start3A_7 = tpu.memref_squeeze %dma_start3A_6 : memref<1x128x64xf32, #tpu.memory_space<vmem>> -> memref<128x64xf32, #tpu.memory_space<vmem>>
    %dma_start3A_8 = arith.constant 0 : i32
    %dma_start3A_9 = tpu.memref_slice %arg5[%dma_start3A, %dma_start3A_8] : memref<200x128xi32, #tpu.memory_space<vmem>> -> memref<1x128xi32, #tpu.memory_space<vmem>>
    %dma_start3A_10 = tpu.memref_squeeze %dma_start3A_9 : memref<1x128xi32, #tpu.memory_space<vmem>> -> memref<128xi32, #tpu.memory_space<vmem>>
    %dma_start3A_11 = arith.constant 0 : i32
    %dma_start3A_12 = arith.constant 0 : i32
    %dma_start3A_13 = tpu.memref_slice %arg3[%dma_start3A_11, %dma_start3A_12] : memref<1000000x64xf32, #tpu.memory_space<hbm>> -> memref<1000000x64xf32, #tpu.memory_space<hbm>>
    tpu.enqueue_indirect_dma source(%dma_start3A_13 : memref<1000000x64xf32, #tpu.memory_space<hbm>>) target(%dma_start3A_7 : memref<128x64xf32, #tpu.memory_space<vmem>>) offsets(%dma_start3A_10 : memref<128xi32, #tpu.memory_space<vmem>>) semaphore(%arg7 : memref<!tpu.dma_semaphore, #tpu.memory_space<semaphore_mem>>)
    %dma_start3A_14 = arith.constant 1 : i32
    %dma_start3A_15 = arith.constant 0 : i32
    %dma_start3A_16 = arith.constant 128 : i32
    %dma_start3A_17 = arith.constant 0 : i32
    %dma_start3A_18 = tpu.memref_slice %arg6[%dma_start3A_15, %dma_start3A_16, %dma_start3A_17] : memref<2x512x64xf32, #tpu.memory_space<vmem>> -> memref<1x128x64xf32, #tpu.memory_space<vmem>>
    %dma_start3A_19 = tpu.memref_squeeze %dma_start3A_18 : memref<1x128x64xf32, #tpu.memory_space<vmem>> -> memref<128x64xf32, #tpu.memory_space<vmem>>
    %dma_start3A_20 = arith.constant 0 : i32
    %dma_start3A_21 = tpu.memref_slice %arg5[%dma_start3A_14, %dma_start3A_20] : memref<200x128xi32, #tpu.memory_space<vmem>> -> memref<1x128xi32, #tpu.memory_space<vmem>>
    %dma_start3A_22 = tpu.memref_squeeze %dma_start3A_21 : memref<1x128xi32, #tpu.memory_space<vmem>> -> memref<128xi32, #tpu.memory_space<vmem>>
    %dma_start3A_23 = arith.constant 0 : i32
    %dma_start3A_24 = arith.constant 0 : i32
    %dma_start3A_25 = tpu.memref_slice %arg3[%dma_start3A_23, %dma_start3A_24] : memref<1000000x64xf32, #tpu.memory_space<hbm>> -> memref<1000000x64xf32, #tpu.memory_space<hbm>>
    tpu.enqueue_indirect_dma source(%dma_start3A_25 : memref<1000000x64xf32, #tpu.memory_space<hbm>>) target(%dma_start3A_19 : memref<128x64xf32, #tpu.memory_space<vmem>>) offsets(%dma_start3A_22 : memref<128xi32, #tpu.memory_space<vmem>>) semaphore(%arg7 : memref<!tpu.dma_semaphore, #tpu.memory_space<semaphore_mem>>)
    %dma_start3A_26 = arith.constant 2 : i32
    %dma_start3A_27 = arith.constant 0 : i32
    %dma_start3A_28 = arith.constant 256 : i32
    %dma_start3A_29 = arith.constant 0 : i32
    %dma_start3A_30 = tpu.memref_slice %arg6[%dma_start3A_27, %dma_start3A_28, %dma_start3A_29] : memref<2x512x64xf32, #tpu.memory_space<vmem>> -> memref<1x128x64xf32, #tpu.memory_space<vmem>>
    %dma_start3A_31 = tpu.memref_squeeze %dma_start3A_30 : memref<1x128x64xf32, #tpu.memory_space<vmem>> -> memref<128x64xf32, #tpu.memory_space<vmem>>
    %dma_start3A_32 = arith.constant 0 : i32
    %dma_start3A_33 = tpu.memref_slice %arg5[%dma_start3A_26, %dma_start3A_32] : memref<200x128xi32, #tpu.memory_space<vmem>> -> memref<1x128xi32, #tpu.memory_space<vmem>>
    %dma_start3A_34 = tpu.memref_squeeze %dma_start3A_33 : memref<1x128xi32, #tpu.memory_space<vmem>> -> memref<128xi32, #tpu.memory_space<vmem>>
    %dma_start3A_35 = arith.constant 0 : i32
    %dma_start3A_36 = arith.constant 0 : i32
    %dma_start3A_37 = tpu.memref_slice %arg3[%dma_start3A_35, %dma_start3A_36] : memref<1000000x64xf32, #tpu.memory_space<hbm>> -> memref<1000000x64xf32, #tpu.memory_space<hbm>>
    tpu.enqueue_indirect_dma source(%dma_start3A_37 : memref<1000000x64xf32, #tpu.memory_space<hbm>>) target(%dma_start3A_31 : memref<128x64xf32, #tpu.memory_space<vmem>>) offsets(%dma_start3A_34 : memref<128xi32, #tpu.memory_space<vmem>>) semaphore(%arg7 : memref<!tpu.dma_semaphore, #tpu.memory_space<semaphore_mem>>)
    %dma_start3A_38 = arith.constant 3 : i32
    %dma_start3A_39 = arith.constant 0 : i32
    %dma_start3A_40 = arith.constant 384 : i32
    %dma_start3A_41 = arith.constant 0 : i32
    %dma_start3A_42 = tpu.memref_slice %arg6[%dma_start3A_39, %dma_start3A_40, %dma_start3A_41] : memref<2x512x64xf32, #tpu.memory_space<vmem>> -> memref<1x128x64xf32, #tpu.memory_space<vmem>>
    %dma_start3A_43 = tpu.memref_squeeze %dma_start3A_42 : memref<1x128x64xf32, #tpu.memory_space<vmem>> -> memref<128x64xf32, #tpu.memory_space<vmem>>
    %dma_start3A_44 = arith.constant 0 : i32
    %dma_start3A_45 = tpu.memref_slice %arg5[%dma_start3A_38, %dma_start3A_44] : memref<200x128xi32, #tpu.memory_space<vmem>> -> memref<1x128xi32, #tpu.memory_space<vmem>>
    %dma_start3A_46 = tpu.memref_squeeze %dma_start3A_45 : memref<1x128xi32, #tpu.memory_space<vmem>> -> memref<128xi32, #tpu.memory_space<vmem>>
    %dma_start3A_47 = arith.constant 0 : i32
    %dma_start3A_48 = arith.constant 0 : i32
    %dma_start3A_49 = tpu.memref_slice %arg3[%dma_start3A_47, %dma_start3A_48] : memref<1000000x64xf32, #tpu.memory_space<hbm>> -> memref<1000000x64xf32, #tpu.memory_space<hbm>>
    tpu.enqueue_indirect_dma source(%dma_start3A_49 : memref<1000000x64xf32, #tpu.memory_space<hbm>>) target(%dma_start3A_43 : memref<128x64xf32, #tpu.memory_space<vmem>>) offsets(%dma_start3A_46 : memref<128xi32, #tpu.memory_space<vmem>>) semaphore(%arg7 : memref<!tpu.dma_semaphore, #tpu.memory_space<semaphore_mem>>)
    %dma_start3A_50 = arith.constant 4 : i32
    %dma_start3A_51 = arith.constant 1 : i32
    %dma_start3A_52 = arith.constant 0 : i32
    %dma_start3A_53 = arith.constant 0 : i32
    %dma_start3A_54 = tpu.memref_slice %arg6[%dma_start3A_51, %dma_start3A_52, %dma_start3A_53] : memref<2x512x64xf32, #tpu.memory_space<vmem>> -> memref<1x128x64xf32, #tpu.memory_space<vmem>>
    %dma_start3A_55 = tpu.memref_squeeze %dma_start3A_54 : memref<1x128x64xf32, #tpu.memory_space<vmem>> -> memref<128x64xf32, #tpu.memory_space<vmem>>
    %dma_start3A_56 = arith.constant 0 : i32
    %dma_start3A_57 = tpu.memref_slice %arg5[%dma_start3A_50, %dma_start3A_56] : memref<200x128xi32, #tpu.memory_space<vmem>> -> memref<1x128xi32, #tpu.memory_space<vmem>>
    %dma_start3A_58 = tpu.memref_squeeze %dma_start3A_57 : memref<1x128xi32, #tpu.memory_space<vmem>> -> memref<128xi32, #tpu.memory_space<vmem>>
    %dma_start3A_59 = arith.constant 0 : i32
    %dma_start3A_60 = arith.constant 0 : i32
    %dma_start3A_61 = tpu.memref_slice %arg3[%dma_start3A_59, %dma_start3A_60] : memref<1000000x64xf32, #tpu.memory_space<hbm>> -> memref<1000000x64xf32, #tpu.memory_space<hbm>>
    tpu.enqueue_indirect_dma source(%dma_start3A_61 : memref<1000000x64xf32, #tpu.memory_space<hbm>>) target(%dma_start3A_55 : memref<128x64xf32, #tpu.memory_space<vmem>>) offsets(%dma_start3A_58 : memref<128xi32, #tpu.memory_space<vmem>>) semaphore(%arg8 : memref<!tpu.dma_semaphore, #tpu.memory_space<semaphore_mem>>)
    %dma_start3A_62 = arith.constant 5 : i32
    %dma_start3A_63 = arith.constant 1 : i32
    %dma_start3A_64 = arith.constant 128 : i32
    %dma_start3A_65 = arith.constant 0 : i32
    %dma_start3A_66 = tpu.memref_slice %arg6[%dma_start3A_63, %dma_start3A_64, %dma_start3A_65] : memref<2x512x64xf32, #tpu.memory_space<vmem>> -> memref<1x128x64xf32, #tpu.memory_space<vmem>>
    %dma_start3A_67 = tpu.memref_squeeze %dma_start3A_66 : memref<1x128x64xf32, #tpu.memory_space<vmem>> -> memref<128x64xf32, #tpu.memory_space<vmem>>
    %dma_start3A_68 = arith.constant 0 : i32
    %dma_start3A_69 = tpu.memref_slice %arg5[%dma_start3A_62, %dma_start3A_68] : memref<200x128xi32, #tpu.memory_space<vmem>> -> memref<1x128xi32, #tpu.memory_space<vmem>>
    %dma_start3A_70 = tpu.memref_squeeze %dma_start3A_69 : memref<1x128xi32, #tpu.memory_space<vmem>> -> memref<128xi32, #tpu.memory_space<vmem>>
    %dma_start3A_71 = arith.constant 0 : i32
    %dma_start3A_72 = arith.constant 0 : i32
    %dma_start3A_73 = tpu.memref_slice %arg3[%dma_start3A_71, %dma_start3A_72] : memref<1000000x64xf32, #tpu.memory_space<hbm>> -> memref<1000000x64xf32, #tpu.memory_space<hbm>>
    tpu.enqueue_indirect_dma source(%dma_start3A_73 : memref<1000000x64xf32, #tpu.memory_space<hbm>>) target(%dma_start3A_67 : memref<128x64xf32, #tpu.memory_space<vmem>>) offsets(%dma_start3A_70 : memref<128xi32, #tpu.memory_space<vmem>>) semaphore(%arg8 : memref<!tpu.dma_semaphore, #tpu.memory_space<semaphore_mem>>)
    %dma_start3A_74 = arith.constant 6 : i32
    %dma_start3A_75 = arith.constant 1 : i32
    %dma_start3A_76 = arith.constant 256 : i32
    %dma_start3A_77 = arith.constant 0 : i32
    %dma_start3A_78 = tpu.memref_slice %arg6[%dma_start3A_75, %dma_start3A_76, %dma_start3A_77] : memref<2x512x64xf32, #tpu.memory_space<vmem>> -> memref<1x128x64xf32, #tpu.memory_space<vmem>>
    %dma_start3A_79 = tpu.memref_squeeze %dma_start3A_78 : memref<1x128x64xf32, #tpu.memory_space<vmem>> -> memref<128x64xf32, #tpu.memory_space<vmem>>
    %dma_start3A_80 = arith.constant 0 : i32
    %dma_start3A_81 = tpu.memref_slice %arg5[%dma_start3A_74, %dma_start3A_80] : memref<200x128xi32, #tpu.memory_space<vmem>> -> memref<1x128xi32, #tpu.memory_space<vmem>>
    %dma_start3A_82 = tpu.memref_squeeze %dma_start3A_81 : memref<1x128xi32, #tpu.memory_space<vmem>> -> memref<128xi32, #tpu.memory_space<vmem>>
    %dma_start3A_83 = arith.constant 0 : i32
    %dma_start3A_84 = arith.constant 0 : i32
    %dma_start3A_85 = tpu.memref_slice %arg3[%dma_start3A_83, %dma_start3A_84] : memref<1000000x64xf32, #tpu.memory_space<hbm>> -> memref<1000000x64xf32, #tpu.memory_space<hbm>>
    tpu.enqueue_indirect_dma source(%dma_start3A_85 : memref<1000000x64xf32, #tpu.memory_space<hbm>>) target(%dma_start3A_79 : memref<128x64xf32, #tpu.memory_space<vmem>>) offsets(%dma_start3A_82 : memref<128xi32, #tpu.memory_space<vmem>>) semaphore(%arg8 : memref<!tpu.dma_semaphore, #tpu.memory_space<semaphore_mem>>)
    %dma_start3A_86 = arith.constant 7 : i32
    %dma_start3A_87 = arith.constant 1 : i32
    %dma_start3A_88 = arith.constant 384 : i32
    %dma_start3A_89 = arith.constant 0 : i32
    %dma_start3A_90 = tpu.memref_slice %arg6[%dma_start3A_87, %dma_start3A_88, %dma_start3A_89] : memref<2x512x64xf32, #tpu.memory_space<vmem>> -> memref<1x128x64xf32, #tpu.memory_space<vmem>>
    %dma_start3A_91 = tpu.memref_squeeze %dma_start3A_90 : memref<1x128x64xf32, #tpu.memory_space<vmem>> -> memref<128x64xf32, #tpu.memory_space<vmem>>
    %dma_start3A_92 = arith.constant 0 : i32
    %dma_start3A_93 = tpu.memref_slice %arg5[%dma_start3A_86, %dma_start3A_92] : memref<200x128xi32, #tpu.memory_space<vmem>> -> memref<1x128xi32, #tpu.memory_space<vmem>>
    %dma_start3A_94 = tpu.memref_squeeze %dma_start3A_93 : memref<1x128xi32, #tpu.memory_space<vmem>> -> memref<128xi32, #tpu.memory_space<vmem>>
    %dma_start3A_95 = arith.constant 0 : i32
    %dma_start3A_96 = arith.constant 0 : i32
    %dma_start3A_97 = tpu.memref_slice %arg3[%dma_start3A_95, %dma_start3A_96] : memref<1000000x64xf32, #tpu.memory_space<hbm>> -> memref<1000000x64xf32, #tpu.memory_space<hbm>>
    tpu.enqueue_indirect_dma source(%dma_start3A_97 : memref<1000000x64xf32, #tpu.memory_space<hbm>>) target(%dma_start3A_91 : memref<128x64xf32, #tpu.memory_space<vmem>>) offsets(%dma_start3A_94 : memref<128xi32, #tpu.memory_space<vmem>>) semaphore(%arg8 : memref<!tpu.dma_semaphore, #tpu.memory_space<semaphore_mem>>)
    %scan3A = arith.constant 0 : i32
    %scan3A_98 = arith.constant 0 : i32
    %scan3A_99 = arith.constant 24 : i32
    %scan3A_100 = arith.addi %scan3A_98, %scan3A_99 : i32
    %scan3A_101 = arith.constant 1 : i32
    scf.for %scan3A_282 = %scan3A_98 to %scan3A_100 step %scan3A_101  : i32 {
      %mul3A_283 = arith.constant 2 : i32
      %mul3A_284 = arith.muli %scan3A_282, %mul3A_283 : i32
      %add3A_285 = arith.constant 0 : i32
      %add3A_286 = arith.addi %mul3A_284, %add3A_285 : i32
      %dma_wait3A_287 = arith.constant 0 : i32
      %dma_wait3A_288 = arith.constant 0 : i32
      %dma_wait3A_289 = arith.constant 0 : i32
      %dma_wait3A_290 = tpu.memref_slice %arg6[%dma_wait3A_287, %dma_wait3A_288, %dma_wait3A_289] : memref<2x512x64xf32, #tpu.memory_space<vmem>> -> memref<1x512x64xf32, #tpu.memory_space<vmem>>
      %dma_wait3A_291 = tpu.memref_squeeze %dma_wait3A_290 : memref<1x512x64xf32, #tpu.memory_space<vmem>> -> memref<512x64xf32, #tpu.memory_space<vmem>>
      %dma_wait3A_292 = arith.constant 0 : i32
      %dma_wait3A_293 = arith.constant 0 : i32
      %dma_wait3A_294 = tpu.memref_slice %arg3[%dma_wait3A_292, %dma_wait3A_293] : memref<1000000x64xf32, #tpu.memory_space<hbm>> -> memref<512x64xf32, #tpu.memory_space<hbm>>
      %dma_wait3A_295 = arith.constant 0 : i32
      %dma_wait3A_296 = arith.constant 0 : i32
      %dma_wait3A_297 = tpu.memref_slice %arg6[%dma_wait3A_287, %dma_wait3A_295, %dma_wait3A_296] : memref<2x512x64xf32, #tpu.memory_space<vmem>> -> memref<1x512x64xf32, #tpu.memory_space<vmem>>
      %dma_wait3A_298 = tpu.memref_squeeze %dma_wait3A_297 : memref<1x512x64xf32, #tpu.memory_space<vmem>> -> memref<512x64xf32, #tpu.memory_space<vmem>>
      %dma_wait3A_299 = arith.constant 0 : i32
      %dma_wait3A_300 = arith.constant 0 : i32
      %dma_wait3A_301 = tpu.memref_slice %arg3[%dma_wait3A_299, %dma_wait3A_300] : memref<1000000x64xf32, #tpu.memory_space<hbm>> -> memref<512x64xf32, #tpu.memory_space<hbm>>
      tpu.wait_dma2 semaphore(%arg7 : memref<!tpu.dma_semaphore, #tpu.memory_space<semaphore_mem>>) src(%dma_wait3A_301 : memref<512x64xf32, #tpu.memory_space<hbm>>) dst(%dma_wait3A_298 : memref<512x64xf32, #tpu.memory_space<vmem>>)
      %mul3A_302 = arith.constant 4 : i32
      %mul3A_303 = arith.muli %add3A_286, %mul3A_302 : i32
      %add3A_304 = arith.constant 0 : i32
      %add3A_305 = arith.addi %mul3A_303, %add3A_304 : i32
      %mul3A_306 = arith.constant 4096 : i32
      %mul3A_307 = arith.muli %add3A_305, %mul3A_306 : i32
      %add3A_308 = arith.addi %mul3A_307, %mul3A_2 : i32
      %dma_start3A_309 = arith.constant 0 : i32
      %dma_start3A_310 = arith.constant 0 : i32
      %dma_start3A_311 = arith.constant 0 : i32
      %dma_start3A_312 = tpu.memref_slice %arg6[%dma_start3A_309, %dma_start3A_310, %dma_start3A_311] : memref<2x512x64xf32, #tpu.memory_space<vmem>> -> memref<1x128x64xf32, #tpu.memory_space<vmem>>
      %dma_start3A_313 = tpu.memref_squeeze %dma_start3A_312 : memref<1x128x64xf32, #tpu.memory_space<vmem>> -> memref<128x64xf32, #tpu.memory_space<vmem>>
      %dma_start3A_314 = arith.constant 0 : i32
      %dma_start3A_315 = tpu.memref_slice %arg4[%add3A_308, %dma_start3A_314] : memref<819200x128xf32, #tpu.memory_space<hbm>> -> memref<128x64xf32, #tpu.memory_space<hbm>>
      %dma_start3A_316 = arith.constant 0 : i32
      %dma_start3A_317 = tpu.memref_slice %arg4[%add3A_308, %dma_start3A_316] : memref<819200x128xf32, #tpu.memory_space<hbm>> -> memref<128x64xf32, #tpu.memory_space<hbm>>
      %dma_start3A_318 = arith.constant 0 : i32
      %dma_start3A_319 = arith.constant 0 : i32
      %dma_start3A_320 = tpu.memref_slice %arg6[%dma_start3A_309, %dma_start3A_318, %dma_start3A_319] : memref<2x512x64xf32, #tpu.memory_space<vmem>> -> memref<1x128x64xf32, #tpu.memory_space<vmem>>
      %dma_start3A_321 = tpu.memref_squeeze %dma_start3A_320 : memref<1x128x64xf32, #tpu.memory_space<vmem>> -> memref<128x64xf32, #tpu.memory_space<vmem>>
      tpu.enqueue_dma source(%dma_start3A_321 : memref<128x64xf32, #tpu.memory_space<vmem>>) target(%dma_start3A_317 : memref<128x64xf32, #tpu.memory_space<hbm>>) target_semaphore(%arg9 : memref<!tpu.dma_semaphore, #tpu.memory_space<semaphore_mem>>)
      %mul3A_322 = arith.constant 4 : i32
      %mul3A_323 = arith.muli %add3A_286, %mul3A_322 : i32
      %add3A_324 = arith.constant 1 : i32
      %add3A_325 = arith.addi %mul3A_323, %add3A_324 : i32
      %mul3A_326 = arith.constant 4096 : i32
      %mul3A_327 = arith.muli %add3A_325, %mul3A_326 : i32
      %add3A_328 = arith.addi %mul3A_327, %mul3A_2 : i32
      %dma_start3A_329 = arith.constant 0 : i32
      %dma_start3A_330 = arith.constant 128 : i32
      %dma_start3A_331 = arith.constant 0 : i32
      %dma_start3A_332 = tpu.memref_slice %arg6[%dma_start3A_329, %dma_start3A_330, %dma_start3A_331] : memref<2x512x64xf32, #tpu.memory_space<vmem>> -> memref<1x128x64xf32, #tpu.memory_space<vmem>>
      %dma_start3A_333 = tpu.memref_squeeze %dma_start3A_332 : memref<1x128x64xf32, #tpu.memory_space<vmem>> -> memref<128x64xf32, #tpu.memory_space<vmem>>
      %dma_start3A_334 = arith.constant 0 : i32
      %dma_start3A_335 = tpu.memref_slice %arg4[%add3A_328, %dma_start3A_334] : memref<819200x128xf32, #tpu.memory_space<hbm>> -> memref<128x64xf32, #tpu.memory_space<hbm>>
      %dma_start3A_336 = arith.constant 0 : i32
      %dma_start3A_337 = tpu.memref_slice %arg4[%add3A_328, %dma_start3A_336] : memref<819200x128xf32, #tpu.memory_space<hbm>> -> memref<128x64xf32, #tpu.memory_space<hbm>>
      %dma_start3A_338 = arith.constant 128 : i32
      %dma_start3A_339 = arith.constant 0 : i32
      %dma_start3A_340 = tpu.memref_slice %arg6[%dma_start3A_329, %dma_start3A_338, %dma_start3A_339] : memref<2x512x64xf32, #tpu.memory_space<vmem>> -> memref<1x128x64xf32, #tpu.memory_space<vmem>>
      %dma_start3A_341 = tpu.memref_squeeze %dma_start3A_340 : memref<1x128x64xf32, #tpu.memory_space<vmem>> -> memref<128x64xf32, #tpu.memory_space<vmem>>
      tpu.enqueue_dma source(%dma_start3A_341 : memref<128x64xf32, #tpu.memory_space<vmem>>) target(%dma_start3A_337 : memref<128x64xf32, #tpu.memory_space<hbm>>) target_semaphore(%arg9 : memref<!tpu.dma_semaphore, #tpu.memory_space<semaphore_mem>>)
      %mul3A_342 = arith.constant 4 : i32
      %mul3A_343 = arith.muli %add3A_286, %mul3A_342 : i32
      %add3A_344 = arith.constant 2 : i32
      %add3A_345 = arith.addi %mul3A_343, %add3A_344 : i32
      %mul3A_346 = arith.constant 4096 : i32
      %mul3A_347 = arith.muli %add3A_345, %mul3A_346 : i32
      %add3A_348 = arith.addi %mul3A_347, %mul3A_2 : i32
      %dma_start3A_349 = arith.constant 0 : i32
      %dma_start3A_350 = arith.constant 256 : i32
      %dma_start3A_351 = arith.constant 0 : i32
      %dma_start3A_352 = tpu.memref_slice %arg6[%dma_start3A_349, %dma_start3A_350, %dma_start3A_351] : memref<2x512x64xf32, #tpu.memory_space<vmem>> -> memref<1x128x64xf32, #tpu.memory_space<vmem>>
      %dma_start3A_353 = tpu.memref_squeeze %dma_start3A_352 : memref<1x128x64xf32, #tpu.memory_space<vmem>> -> memref<128x64xf32, #tpu.memory_space<vmem>>
      %dma_start3A_354 = arith.constant 0 : i32
      %dma_start3A_355 = tpu.memref_slice %arg4[%add3A_348, %dma_start3A_354] : memref<819200x128xf32, #tpu.memory_space<hbm>> -> memref<128x64xf32, #tpu.memory_space<hbm>>
      %dma_start3A_356 = arith.constant 0 : i32
      %dma_start3A_357 = tpu.memref_slice %arg4[%add3A_348, %dma_start3A_356] : memref<819200x128xf32, #tpu.memory_space<hbm>> -> memref<128x64xf32, #tpu.memory_space<hbm>>
      %dma_start3A_358 = arith.constant 256 : i32
      %dma_start3A_359 = arith.constant 0 : i32
      %dma_start3A_360 = tpu.memref_slice %arg6[%dma_start3A_349, %dma_start3A_358, %dma_start3A_359] : memref<2x512x64xf32, #tpu.memory_space<vmem>> -> memref<1x128x64xf32, #tpu.memory_space<vmem>>
      %dma_start3A_361 = tpu.memref_squeeze %dma_start3A_360 : memref<1x128x64xf32, #tpu.memory_space<vmem>> -> memref<128x64xf32, #tpu.memory_space<vmem>>
      tpu.enqueue_dma source(%dma_start3A_361 : memref<128x64xf32, #tpu.memory_space<vmem>>) target(%dma_start3A_357 : memref<128x64xf32, #tpu.memory_space<hbm>>) target_semaphore(%arg9 : memref<!tpu.dma_semaphore, #tpu.memory_space<semaphore_mem>>)
      %mul3A_362 = arith.constant 4 : i32
      %mul3A_363 = arith.muli %add3A_286, %mul3A_362 : i32
      %add3A_364 = arith.constant 3 : i32
      %add3A_365 = arith.addi %mul3A_363, %add3A_364 : i32
      %mul3A_366 = arith.constant 4096 : i32
      %mul3A_367 = arith.muli %add3A_365, %mul3A_366 : i32
      %add3A_368 = arith.addi %mul3A_367, %mul3A_2 : i32
      %dma_start3A_369 = arith.constant 0 : i32
      %dma_start3A_370 = arith.constant 384 : i32
      %dma_start3A_371 = arith.constant 0 : i32
      %dma_start3A_372 = tpu.memref_slice %arg6[%dma_start3A_369, %dma_start3A_370, %dma_start3A_371] : memref<2x512x64xf32, #tpu.memory_space<vmem>> -> memref<1x128x64xf32, #tpu.memory_space<vmem>>
      %dma_start3A_373 = tpu.memref_squeeze %dma_start3A_372 : memref<1x128x64xf32, #tpu.memory_space<vmem>> -> memref<128x64xf32, #tpu.memory_space<vmem>>
      %dma_start3A_374 = arith.constant 0 : i32
      %dma_start3A_375 = tpu.memref_slice %arg4[%add3A_368, %dma_start3A_374] : memref<819200x128xf32, #tpu.memory_space<hbm>> -> memref<128x64xf32, #tpu.memory_space<hbm>>
      %dma_start3A_376 = arith.constant 0 : i32
      %dma_start3A_377 = tpu.memref_slice %arg4[%add3A_368, %dma_start3A_376] : memref<819200x128xf32, #tpu.memory_space<hbm>> -> memref<128x64xf32, #tpu.memory_space<hbm>>
      %dma_start3A_378 = arith.constant 384 : i32
      %dma_start3A_379 = arith.constant 0 : i32
      %dma_start3A_380 = tpu.memref_slice %arg6[%dma_start3A_369, %dma_start3A_378, %dma_start3A_379] : memref<2x512x64xf32, #tpu.memory_space<vmem>> -> memref<1x128x64xf32, #tpu.memory_space<vmem>>
      %dma_start3A_381 = tpu.memref_squeeze %dma_start3A_380 : memref<1x128x64xf32, #tpu.memory_space<vmem>> -> memref<128x64xf32, #tpu.memory_space<vmem>>
      tpu.enqueue_dma source(%dma_start3A_381 : memref<128x64xf32, #tpu.memory_space<vmem>>) target(%dma_start3A_377 : memref<128x64xf32, #tpu.memory_space<hbm>>) target_semaphore(%arg9 : memref<!tpu.dma_semaphore, #tpu.memory_space<semaphore_mem>>)
      %dma_wait3A_382 = arith.constant 0 : i32
      %dma_wait3A_383 = arith.constant 0 : i32
      %dma_wait3A_384 = arith.constant 0 : i32
      %dma_wait3A_385 = tpu.memref_slice %arg6[%dma_wait3A_382, %dma_wait3A_383, %dma_wait3A_384] : memref<2x512x64xf32, #tpu.memory_space<vmem>> -> memref<1x512x64xf32, #tpu.memory_space<vmem>>
      %dma_wait3A_386 = tpu.memref_squeeze %dma_wait3A_385 : memref<1x512x64xf32, #tpu.memory_space<vmem>> -> memref<512x64xf32, #tpu.memory_space<vmem>>
      %dma_wait3A_387 = arith.constant 0 : i32
      %dma_wait3A_388 = arith.constant 0 : i32
      %dma_wait3A_389 = tpu.memref_slice %arg4[%dma_wait3A_387, %dma_wait3A_388] : memref<819200x128xf32, #tpu.memory_space<hbm>> -> memref<512x64xf32, #tpu.memory_space<hbm>>
      %dma_wait3A_390 = arith.constant 0 : i32
      %dma_wait3A_391 = arith.constant 0 : i32
      %dma_wait3A_392 = tpu.memref_slice %arg4[%dma_wait3A_390, %dma_wait3A_391] : memref<819200x128xf32, #tpu.memory_space<hbm>> -> memref<512x64xf32, #tpu.memory_space<hbm>>
      %dma_wait3A_393 = arith.constant 0 : i32
      %dma_wait3A_394 = arith.constant 0 : i32
      %dma_wait3A_395 = tpu.memref_slice %arg6[%dma_wait3A_382, %dma_wait3A_393, %dma_wait3A_394] : memref<2x512x64xf32, #tpu.memory_space<vmem>> -> memref<1x512x64xf32, #tpu.memory_space<vmem>>
      %dma_wait3A_396 = tpu.memref_squeeze %dma_wait3A_395 : memref<1x512x64xf32, #tpu.memory_space<vmem>> -> memref<512x64xf32, #tpu.memory_space<vmem>>
      tpu.wait_dma2 semaphore(%arg9 : memref<!tpu.dma_semaphore, #tpu.memory_space<semaphore_mem>>) src(%dma_wait3A_396 : memref<512x64xf32, #tpu.memory_space<vmem>>) dst(%dma_wait3A_392 : memref<512x64xf32, #tpu.memory_space<hbm>>)
      %add3A_397 = arith.constant 2 : i32
      %add3A_398 = arith.addi %add3A_286, %add3A_397 : i32
      %mul3A_399 = arith.constant 4 : i32
      %mul3A_400 = arith.muli %add3A_398, %mul3A_399 : i32
      %add3A_401 = arith.constant 0 : i32
      %add3A_402 = arith.addi %mul3A_400, %add3A_401 : i32
      %dma_start3A_403 = arith.constant 0 : i32
      %dma_start3A_404 = arith.constant 0 : i32
      %dma_start3A_405 = arith.constant 0 : i32
      %dma_start3A_406 = tpu.memref_slice %arg6[%dma_start3A_403, %dma_start3A_404, %dma_start3A_405] : memref<2x512x64xf32, #tpu.memory_space<vmem>> -> memref<1x128x64xf32, #tpu.memory_space<vmem>>
      %dma_start3A_407 = tpu.memref_squeeze %dma_start3A_406 : memref<1x128x64xf32, #tpu.memory_space<vmem>> -> memref<128x64xf32, #tpu.memory_space<vmem>>
      %dma_start3A_408 = arith.constant 0 : i32
      %dma_start3A_409 = tpu.memref_slice %arg5[%add3A_402, %dma_start3A_408] : memref<200x128xi32, #tpu.memory_space<vmem>> -> memref<1x128xi32, #tpu.memory_space<vmem>>
      %dma_start3A_410 = tpu.memref_squeeze %dma_start3A_409 : memref<1x128xi32, #tpu.memory_space<vmem>> -> memref<128xi32, #tpu.memory_space<vmem>>
      %dma_start3A_411 = arith.constant 0 : i32
      %dma_start3A_412 = arith.constant 0 : i32
      %dma_start3A_413 = tpu.memref_slice %arg3[%dma_start3A_411, %dma_start3A_412] : memref<1000000x64xf32, #tpu.memory_space<hbm>> -> memref<1000000x64xf32, #tpu.memory_space<hbm>>
      tpu.enqueue_indirect_dma source(%dma_start3A_413 : memref<1000000x64xf32, #tpu.memory_space<hbm>>) target(%dma_start3A_407 : memref<128x64xf32, #tpu.memory_space<vmem>>) offsets(%dma_start3A_410 : memref<128xi32, #tpu.memory_space<vmem>>) semaphore(%arg7 : memref<!tpu.dma_semaphore, #tpu.memory_space<semaphore_mem>>)
      %mul3A_414 = arith.constant 4 : i32
      %mul3A_415 = arith.muli %add3A_398, %mul3A_414 : i32
      %add3A_416 = arith.constant 1 : i32
      %add3A_417 = arith.addi %mul3A_415, %add3A_416 : i32
      %dma_start3A_418 = arith.constant 0 : i32
      %dma_start3A_419 = arith.constant 128 : i32
      %dma_start3A_420 = arith.constant 0 : i32
      %dma_start3A_421 = tpu.memref_slice %arg6[%dma_start3A_418, %dma_start3A_419, %dma_start3A_420] : memref<2x512x64xf32, #tpu.memory_space<vmem>> -> memref<1x128x64xf32, #tpu.memory_space<vmem>>
      %dma_start3A_422 = tpu.memref_squeeze %dma_start3A_421 : memref<1x128x64xf32, #tpu.memory_space<vmem>> -> memref<128x64xf32, #tpu.memory_space<vmem>>
      %dma_start3A_423 = arith.constant 0 : i32
      %dma_start3A_424 = tpu.memref_slice %arg5[%add3A_417, %dma_start3A_423] : memref<200x128xi32, #tpu.memory_space<vmem>> -> memref<1x128xi32, #tpu.memory_space<vmem>>
      %dma_start3A_425 = tpu.memref_squeeze %dma_start3A_424 : memref<1x128xi32, #tpu.memory_space<vmem>> -> memref<128xi32, #tpu.memory_space<vmem>>
      %dma_start3A_426 = arith.constant 0 : i32
      %dma_start3A_427 = arith.constant 0 : i32
      %dma_start3A_428 = tpu.memref_slice %arg3[%dma_start3A_426, %dma_start3A_427] : memref<1000000x64xf32, #tpu.memory_space<hbm>> -> memref<1000000x64xf32, #tpu.memory_space<hbm>>
      tpu.enqueue_indirect_dma source(%dma_start3A_428 : memref<1000000x64xf32, #tpu.memory_space<hbm>>) target(%dma_start3A_422 : memref<128x64xf32, #tpu.memory_space<vmem>>) offsets(%dma_start3A_425 : memref<128xi32, #tpu.memory_space<vmem>>) semaphore(%arg7 : memref<!tpu.dma_semaphore, #tpu.memory_space<semaphore_mem>>)
      %mul3A_429 = arith.constant 4 : i32
      %mul3A_430 = arith.muli %add3A_398, %mul3A_429 : i32
      %add3A_431 = arith.constant 2 : i32
      %add3A_432 = arith.addi %mul3A_430, %add3A_431 : i32
      %dma_start3A_433 = arith.constant 0 : i32
      %dma_start3A_434 = arith.constant 256 : i32
      %dma_start3A_435 = arith.constant 0 : i32
      %dma_start3A_436 = tpu.memref_slice %arg6[%dma_start3A_433, %dma_start3A_434, %dma_start3A_435] : memref<2x512x64xf32, #tpu.memory_space<vmem>> -> memref<1x128x64xf32, #tpu.memory_space<vmem>>
      %dma_start3A_437 = tpu.memref_squeeze %dma_start3A_436 : memref<1x128x64xf32, #tpu.memory_space<vmem>> -> memref<128x64xf32, #tpu.memory_space<vmem>>
      %dma_start3A_438 = arith.constant 0 : i32
      %dma_start3A_439 = tpu.memref_slice %arg5[%add3A_432, %dma_start3A_438] : memref<200x128xi32, #tpu.memory_space<vmem>> -> memref<1x128xi32, #tpu.memory_space<vmem>>
      %dma_start3A_440 = tpu.memref_squeeze %dma_start3A_439 : memref<1x128xi32, #tpu.memory_space<vmem>> -> memref<128xi32, #tpu.memory_space<vmem>>
      %dma_start3A_441 = arith.constant 0 : i32
      %dma_start3A_442 = arith.constant 0 : i32
      %dma_start3A_443 = tpu.memref_slice %arg3[%dma_start3A_441, %dma_start3A_442] : memref<1000000x64xf32, #tpu.memory_space<hbm>> -> memref<1000000x64xf32, #tpu.memory_space<hbm>>
      tpu.enqueue_indirect_dma source(%dma_start3A_443 : memref<1000000x64xf32, #tpu.memory_space<hbm>>) target(%dma_start3A_437 : memref<128x64xf32, #tpu.memory_space<vmem>>) offsets(%dma_start3A_440 : memref<128xi32, #tpu.memory_space<vmem>>) semaphore(%arg7 : memref<!tpu.dma_semaphore, #tpu.memory_space<semaphore_mem>>)
      %mul3A_444 = arith.constant 4 : i32
      %mul3A_445 = arith.muli %add3A_398, %mul3A_444 : i32
      %add3A_446 = arith.constant 3 : i32
      %add3A_447 = arith.addi %mul3A_445, %add3A_446 : i32
      %dma_start3A_448 = arith.constant 0 : i32
      %dma_start3A_449 = arith.constant 384 : i32
      %dma_start3A_450 = arith.constant 0 : i32
      %dma_start3A_451 = tpu.memref_slice %arg6[%dma_start3A_448, %dma_start3A_449, %dma_start3A_450] : memref<2x512x64xf32, #tpu.memory_space<vmem>> -> memref<1x128x64xf32, #tpu.memory_space<vmem>>
      %dma_start3A_452 = tpu.memref_squeeze %dma_start3A_451 : memref<1x128x64xf32, #tpu.memory_space<vmem>> -> memref<128x64xf32, #tpu.memory_space<vmem>>
      %dma_start3A_453 = arith.constant 0 : i32
      %dma_start3A_454 = tpu.memref_slice %arg5[%add3A_447, %dma_start3A_453] : memref<200x128xi32, #tpu.memory_space<vmem>> -> memref<1x128xi32, #tpu.memory_space<vmem>>
      %dma_start3A_455 = tpu.memref_squeeze %dma_start3A_454 : memref<1x128xi32, #tpu.memory_space<vmem>> -> memref<128xi32, #tpu.memory_space<vmem>>
      %dma_start3A_456 = arith.constant 0 : i32
      %dma_start3A_457 = arith.constant 0 : i32
      %dma_start3A_458 = tpu.memref_slice %arg3[%dma_start3A_456, %dma_start3A_457] : memref<1000000x64xf32, #tpu.memory_space<hbm>> -> memref<1000000x64xf32, #tpu.memory_space<hbm>>
      tpu.enqueue_indirect_dma source(%dma_start3A_458 : memref<1000000x64xf32, #tpu.memory_space<hbm>>) target(%dma_start3A_452 : memref<128x64xf32, #tpu.memory_space<vmem>>) offsets(%dma_start3A_455 : memref<128xi32, #tpu.memory_space<vmem>>) semaphore(%arg7 : memref<!tpu.dma_semaphore, #tpu.memory_space<semaphore_mem>>)
      %mul3A_459 = arith.constant 2 : i32
      %mul3A_460 = arith.muli %scan3A_282, %mul3A_459 : i32
      %add3A_461 = arith.constant 1 : i32
      %add3A_462 = arith.addi %mul3A_460, %add3A_461 : i32
      %dma_wait3A_463 = arith.constant 1 : i32
      %dma_wait3A_464 = arith.constant 0 : i32
      %dma_wait3A_465 = arith.constant 0 : i32
      %dma_wait3A_466 = tpu.memref_slice %arg6[%dma_wait3A_463, %dma_wait3A_464, %dma_wait3A_465] : memref<2x512x64xf32, #tpu.memory_space<vmem>> -> memref<1x512x64xf32, #tpu.memory_space<vmem>>
      %dma_wait3A_467 = tpu.memref_squeeze %dma_wait3A_466 : memref<1x512x64xf32, #tpu.memory_space<vmem>> -> memref<512x64xf32, #tpu.memory_space<vmem>>
      %dma_wait3A_468 = arith.constant 0 : i32
      %dma_wait3A_469 = arith.constant 0 : i32
      %dma_wait3A_470 = tpu.memref_slice %arg3[%dma_wait3A_468, %dma_wait3A_469] : memref<1000000x64xf32, #tpu.memory_space<hbm>> -> memref<512x64xf32, #tpu.memory_space<hbm>>
      %dma_wait3A_471 = arith.constant 0 : i32
      %dma_wait3A_472 = arith.constant 0 : i32
      %dma_wait3A_473 = tpu.memref_slice %arg6[%dma_wait3A_463, %dma_wait3A_471, %dma_wait3A_472] : memref<2x512x64xf32, #tpu.memory_space<vmem>> -> memref<1x512x64xf32, #tpu.memory_space<vmem>>
      %dma_wait3A_474 = tpu.memref_squeeze %dma_wait3A_473 : memref<1x512x64xf32, #tpu.memory_space<vmem>> -> memref<512x64xf32, #tpu.memory_space<vmem>>
      %dma_wait3A_475 = arith.constant 0 : i32
      %dma_wait3A_476 = arith.constant 0 : i32
      %dma_wait3A_477 = tpu.memref_slice %arg3[%dma_wait3A_475, %dma_wait3A_476] : memref<1000000x64xf32, #tpu.memory_space<hbm>> -> memref<512x64xf32, #tpu.memory_space<hbm>>
      tpu.wait_dma2 semaphore(%arg8 : memref<!tpu.dma_semaphore, #tpu.memory_space<semaphore_mem>>) src(%dma_wait3A_477 : memref<512x64xf32, #tpu.memory_space<hbm>>) dst(%dma_wait3A_474 : memref<512x64xf32, #tpu.memory_space<vmem>>)
      %mul3A_478 = arith.constant 4 : i32
      %mul3A_479 = arith.muli %add3A_462, %mul3A_478 : i32
      %add3A_480 = arith.constant 0 : i32
      %add3A_481 = arith.addi %mul3A_479, %add3A_480 : i32
      %mul3A_482 = arith.constant 4096 : i32
      %mul3A_483 = arith.muli %add3A_481, %mul3A_482 : i32
      %add3A_484 = arith.addi %mul3A_483, %mul3A_2 : i32
      %dma_start3A_485 = arith.constant 1 : i32
      %dma_start3A_486 = arith.constant 0 : i32
      %dma_start3A_487 = arith.constant 0 : i32
      %dma_start3A_488 = tpu.memref_slice %arg6[%dma_start3A_485, %dma_start3A_486, %dma_start3A_487] : memref<2x512x64xf32, #tpu.memory_space<vmem>> -> memref<1x128x64xf32, #tpu.memory_space<vmem>>
      %dma_start3A_489 = tpu.memref_squeeze %dma_start3A_488 : memref<1x128x64xf32, #tpu.memory_space<vmem>> -> memref<128x64xf32, #tpu.memory_space<vmem>>
      %dma_start3A_490 = arith.constant 0 : i32
      %dma_start3A_491 = tpu.memref_slice %arg4[%add3A_484, %dma_start3A_490] : memref<819200x128xf32, #tpu.memory_space<hbm>> -> memref<128x64xf32, #tpu.memory_space<hbm>>
      %dma_start3A_492 = arith.constant 0 : i32
      %dma_start3A_493 = tpu.memref_slice %arg4[%add3A_484, %dma_start3A_492] : memref<819200x128xf32, #tpu.memory_space<hbm>> -> memref<128x64xf32, #tpu.memory_space<hbm>>
      %dma_start3A_494 = arith.constant 0 : i32
      %dma_start3A_495 = arith.constant 0 : i32
      %dma_start3A_496 = tpu.memref_slice %arg6[%dma_start3A_485, %dma_start3A_494, %dma_start3A_495] : memref<2x512x64xf32, #tpu.memory_space<vmem>> -> memref<1x128x64xf32, #tpu.memory_space<vmem>>
      %dma_start3A_497 = tpu.memref_squeeze %dma_start3A_496 : memref<1x128x64xf32, #tpu.memory_space<vmem>> -> memref<128x64xf32, #tpu.memory_space<vmem>>
      tpu.enqueue_dma source(%dma_start3A_497 : memref<128x64xf32, #tpu.memory_space<vmem>>) target(%dma_start3A_493 : memref<128x64xf32, #tpu.memory_space<hbm>>) target_semaphore(%arg10 : memref<!tpu.dma_semaphore, #tpu.memory_space<semaphore_mem>>)
      %mul3A_498 = arith.constant 4 : i32
      %mul3A_499 = arith.muli %add3A_462, %mul3A_498 : i32
      %add3A_500 = arith.constant 1 : i32
      %add3A_501 = arith.addi %mul3A_499, %add3A_500 : i32
      %mul3A_502 = arith.constant 4096 : i32
      %mul3A_503 = arith.muli %add3A_501, %mul3A_502 : i32
      %add3A_504 = arith.addi %mul3A_503, %mul3A_2 : i32
      %dma_start3A_505 = arith.constant 1 : i32
      %dma_start3A_506 = arith.constant 128 : i32
      %dma_start3A_507 = arith.constant 0 : i32
      %dma_start3A_508 = tpu.memref_slice %arg6[%dma_start3A_505, %dma_start3A_506, %dma_start3A_507] : memref<2x512x64xf32, #tpu.memory_space<vmem>> -> memref<1x128x64xf32, #tpu.memory_space<vmem>>
      %dma_start3A_509 = tpu.memref_squeeze %dma_start3A_508 : memref<1x128x64xf32, #tpu.memory_space<vmem>> -> memref<128x64xf32, #tpu.memory_space<vmem>>
      %dma_start3A_510 = arith.constant 0 : i32
      %dma_start3A_511 = tpu.memref_slice %arg4[%add3A_504, %dma_start3A_510] : memref<819200x128xf32, #tpu.memory_space<hbm>> -> memref<128x64xf32, #tpu.memory_space<hbm>>
      %dma_start3A_512 = arith.constant 0 : i32
      %dma_start3A_513 = tpu.memref_slice %arg4[%add3A_504, %dma_start3A_512] : memref<819200x128xf32, #tpu.memory_space<hbm>> -> memref<128x64xf32, #tpu.memory_space<hbm>>
      %dma_start3A_514 = arith.constant 128 : i32
      %dma_start3A_515 = arith.constant 0 : i32
      %dma_start3A_516 = tpu.memref_slice %arg6[%dma_start3A_505, %dma_start3A_514, %dma_start3A_515] : memref<2x512x64xf32, #tpu.memory_space<vmem>> -> memref<1x128x64xf32, #tpu.memory_space<vmem>>
      %dma_start3A_517 = tpu.memref_squeeze %dma_start3A_516 : memref<1x128x64xf32, #tpu.memory_space<vmem>> -> memref<128x64xf32, #tpu.memory_space<vmem>>
      tpu.enqueue_dma source(%dma_start3A_517 : memref<128x64xf32, #tpu.memory_space<vmem>>) target(%dma_start3A_513 : memref<128x64xf32, #tpu.memory_space<hbm>>) target_semaphore(%arg10 : memref<!tpu.dma_semaphore, #tpu.memory_space<semaphore_mem>>)
      %mul3A_518 = arith.constant 4 : i32
      %mul3A_519 = arith.muli %add3A_462, %mul3A_518 : i32
      %add3A_520 = arith.constant 2 : i32
      %add3A_521 = arith.addi %mul3A_519, %add3A_520 : i32
      %mul3A_522 = arith.constant 4096 : i32
      %mul3A_523 = arith.muli %add3A_521, %mul3A_522 : i32
      %add3A_524 = arith.addi %mul3A_523, %mul3A_2 : i32
      %dma_start3A_525 = arith.constant 1 : i32
      %dma_start3A_526 = arith.constant 256 : i32
      %dma_start3A_527 = arith.constant 0 : i32
      %dma_start3A_528 = tpu.memref_slice %arg6[%dma_start3A_525, %dma_start3A_526, %dma_start3A_527] : memref<2x512x64xf32, #tpu.memory_space<vmem>> -> memref<1x128x64xf32, #tpu.memory_space<vmem>>
      %dma_start3A_529 = tpu.memref_squeeze %dma_start3A_528 : memref<1x128x64xf32, #tpu.memory_space<vmem>> -> memref<128x64xf32, #tpu.memory_space<vmem>>
      %dma_start3A_530 = arith.constant 0 : i32
      %dma_start3A_531 = tpu.memref_slice %arg4[%add3A_524, %dma_start3A_530] : memref<819200x128xf32, #tpu.memory_space<hbm>> -> memref<128x64xf32, #tpu.memory_space<hbm>>
      %dma_start3A_532 = arith.constant 0 : i32
      %dma_start3A_533 = tpu.memref_slice %arg4[%add3A_524, %dma_start3A_532] : memref<819200x128xf32, #tpu.memory_space<hbm>> -> memref<128x64xf32, #tpu.memory_space<hbm>>
      %dma_start3A_534 = arith.constant 256 : i32
      %dma_start3A_535 = arith.constant 0 : i32
      %dma_start3A_536 = tpu.memref_slice %arg6[%dma_start3A_525, %dma_start3A_534, %dma_start3A_535] : memref<2x512x64xf32, #tpu.memory_space<vmem>> -> memref<1x128x64xf32, #tpu.memory_space<vmem>>
      %dma_start3A_537 = tpu.memref_squeeze %dma_start3A_536 : memref<1x128x64xf32, #tpu.memory_space<vmem>> -> memref<128x64xf32, #tpu.memory_space<vmem>>
      tpu.enqueue_dma source(%dma_start3A_537 : memref<128x64xf32, #tpu.memory_space<vmem>>) target(%dma_start3A_533 : memref<128x64xf32, #tpu.memory_space<hbm>>) target_semaphore(%arg10 : memref<!tpu.dma_semaphore, #tpu.memory_space<semaphore_mem>>)
      %mul3A_538 = arith.constant 4 : i32
      %mul3A_539 = arith.muli %add3A_462, %mul3A_538 : i32
      %add3A_540 = arith.constant 3 : i32
      %add3A_541 = arith.addi %mul3A_539, %add3A_540 : i32
      %mul3A_542 = arith.constant 4096 : i32
      %mul3A_543 = arith.muli %add3A_541, %mul3A_542 : i32
      %add3A_544 = arith.addi %mul3A_543, %mul3A_2 : i32
      %dma_start3A_545 = arith.constant 1 : i32
      %dma_start3A_546 = arith.constant 384 : i32
      %dma_start3A_547 = arith.constant 0 : i32
      %dma_start3A_548 = tpu.memref_slice %arg6[%dma_start3A_545, %dma_start3A_546, %dma_start3A_547] : memref<2x512x64xf32, #tpu.memory_space<vmem>> -> memref<1x128x64xf32, #tpu.memory_space<vmem>>
      %dma_start3A_549 = tpu.memref_squeeze %dma_start3A_548 : memref<1x128x64xf32, #tpu.memory_space<vmem>> -> memref<128x64xf32, #tpu.memory_space<vmem>>
      %dma_start3A_550 = arith.constant 0 : i32
      %dma_start3A_551 = tpu.memref_slice %arg4[%add3A_544, %dma_start3A_550] : memref<819200x128xf32, #tpu.memory_space<hbm>> -> memref<128x64xf32, #tpu.memory_space<hbm>>
      %dma_start3A_552 = arith.constant 0 : i32
      %dma_start3A_553 = tpu.memref_slice %arg4[%add3A_544, %dma_start3A_552] : memref<819200x128xf32, #tpu.memory_space<hbm>> -> memref<128x64xf32, #tpu.memory_space<hbm>>
      %dma_start3A_554 = arith.constant 384 : i32
      %dma_start3A_555 = arith.constant 0 : i32
      %dma_start3A_556 = tpu.memref_slice %arg6[%dma_start3A_545, %dma_start3A_554, %dma_start3A_555] : memref<2x512x64xf32, #tpu.memory_space<vmem>> -> memref<1x128x64xf32, #tpu.memory_space<vmem>>
      %dma_start3A_557 = tpu.memref_squeeze %dma_start3A_556 : memref<1x128x64xf32, #tpu.memory_space<vmem>> -> memref<128x64xf32, #tpu.memory_space<vmem>>
      tpu.enqueue_dma source(%dma_start3A_557 : memref<128x64xf32, #tpu.memory_space<vmem>>) target(%dma_start3A_553 : memref<128x64xf32, #tpu.memory_space<hbm>>) target_semaphore(%arg10 : memref<!tpu.dma_semaphore, #tpu.memory_space<semaphore_mem>>)
      %dma_wait3A_558 = arith.constant 1 : i32
      %dma_wait3A_559 = arith.constant 0 : i32
      %dma_wait3A_560 = arith.constant 0 : i32
      %dma_wait3A_561 = tpu.memref_slice %arg6[%dma_wait3A_558, %dma_wait3A_559, %dma_wait3A_560] : memref<2x512x64xf32, #tpu.memory_space<vmem>> -> memref<1x512x64xf32, #tpu.memory_space<vmem>>
      %dma_wait3A_562 = tpu.memref_squeeze %dma_wait3A_561 : memref<1x512x64xf32, #tpu.memory_space<vmem>> -> memref<512x64xf32, #tpu.memory_space<vmem>>
      %dma_wait3A_563 = arith.constant 0 : i32
      %dma_wait3A_564 = arith.constant 0 : i32
      %dma_wait3A_565 = tpu.memref_slice %arg4[%dma_wait3A_563, %dma_wait3A_564] : memref<819200x128xf32, #tpu.memory_space<hbm>> -> memref<512x64xf32, #tpu.memory_space<hbm>>
      %dma_wait3A_566 = arith.constant 0 : i32
      %dma_wait3A_567 = arith.constant 0 : i32
      %dma_wait3A_568 = tpu.memref_slice %arg4[%dma_wait3A_566, %dma_wait3A_567] : memref<819200x128xf32, #tpu.memory_space<hbm>> -> memref<512x64xf32, #tpu.memory_space<hbm>>
      %dma_wait3A_569 = arith.constant 0 : i32
      %dma_wait3A_570 = arith.constant 0 : i32
      %dma_wait3A_571 = tpu.memref_slice %arg6[%dma_wait3A_558, %dma_wait3A_569, %dma_wait3A_570] : memref<2x512x64xf32, #tpu.memory_space<vmem>> -> memref<1x512x64xf32, #tpu.memory_space<vmem>>
      %dma_wait3A_572 = tpu.memref_squeeze %dma_wait3A_571 : memref<1x512x64xf32, #tpu.memory_space<vmem>> -> memref<512x64xf32, #tpu.memory_space<vmem>>
      tpu.wait_dma2 semaphore(%arg10 : memref<!tpu.dma_semaphore, #tpu.memory_space<semaphore_mem>>) src(%dma_wait3A_572 : memref<512x64xf32, #tpu.memory_space<vmem>>) dst(%dma_wait3A_568 : memref<512x64xf32, #tpu.memory_space<hbm>>)
      %add3A_573 = arith.constant 2 : i32
      %add3A_574 = arith.addi %add3A_462, %add3A_573 : i32
      %mul3A_575 = arith.constant 4 : i32
      %mul3A_576 = arith.muli %add3A_574, %mul3A_575 : i32
      %add3A_577 = arith.constant 0 : i32
      %add3A_578 = arith.addi %mul3A_576, %add3A_577 : i32
      %dma_start3A_579 = arith.constant 1 : i32
      %dma_start3A_580 = arith.constant 0 : i32
      %dma_start3A_581 = arith.constant 0 : i32
      %dma_start3A_582 = tpu.memref_slice %arg6[%dma_start3A_579, %dma_start3A_580, %dma_start3A_581] : memref<2x512x64xf32, #tpu.memory_space<vmem>> -> memref<1x128x64xf32, #tpu.memory_space<vmem>>
      %dma_start3A_583 = tpu.memref_squeeze %dma_start3A_582 : memref<1x128x64xf32, #tpu.memory_space<vmem>> -> memref<128x64xf32, #tpu.memory_space<vmem>>
      %dma_start3A_584 = arith.constant 0 : i32
      %dma_start3A_585 = tpu.memref_slice %arg5[%add3A_578, %dma_start3A_584] : memref<200x128xi32, #tpu.memory_space<vmem>> -> memref<1x128xi32, #tpu.memory_space<vmem>>
      %dma_start3A_586 = tpu.memref_squeeze %dma_start3A_585 : memref<1x128xi32, #tpu.memory_space<vmem>> -> memref<128xi32, #tpu.memory_space<vmem>>
      %dma_start3A_587 = arith.constant 0 : i32
      %dma_start3A_588 = arith.constant 0 : i32
      %dma_start3A_589 = tpu.memref_slice %arg3[%dma_start3A_587, %dma_start3A_588] : memref<1000000x64xf32, #tpu.memory_space<hbm>> -> memref<1000000x64xf32, #tpu.memory_space<hbm>>
      tpu.enqueue_indirect_dma source(%dma_start3A_589 : memref<1000000x64xf32, #tpu.memory_space<hbm>>) target(%dma_start3A_583 : memref<128x64xf32, #tpu.memory_space<vmem>>) offsets(%dma_start3A_586 : memref<128xi32, #tpu.memory_space<vmem>>) semaphore(%arg8 : memref<!tpu.dma_semaphore, #tpu.memory_space<semaphore_mem>>)
      %mul3A_590 = arith.constant 4 : i32
      %mul3A_591 = arith.muli %add3A_574, %mul3A_590 : i32
      %add3A_592 = arith.constant 1 : i32
      %add3A_593 = arith.addi %mul3A_591, %add3A_592 : i32
      %dma_start3A_594 = arith.constant 1 : i32
      %dma_start3A_595 = arith.constant 128 : i32
      %dma_start3A_596 = arith.constant 0 : i32
      %dma_start3A_597 = tpu.memref_slice %arg6[%dma_start3A_594, %dma_start3A_595, %dma_start3A_596] : memref<2x512x64xf32, #tpu.memory_space<vmem>> -> memref<1x128x64xf32, #tpu.memory_space<vmem>>
      %dma_start3A_598 = tpu.memref_squeeze %dma_start3A_597 : memref<1x128x64xf32, #tpu.memory_space<vmem>> -> memref<128x64xf32, #tpu.memory_space<vmem>>
      %dma_start3A_599 = arith.constant 0 : i32
      %dma_start3A_600 = tpu.memref_slice %arg5[%add3A_593, %dma_start3A_599] : memref<200x128xi32, #tpu.memory_space<vmem>> -> memref<1x128xi32, #tpu.memory_space<vmem>>
      %dma_start3A_601 = tpu.memref_squeeze %dma_start3A_600 : memref<1x128xi32, #tpu.memory_space<vmem>> -> memref<128xi32, #tpu.memory_space<vmem>>
      %dma_start3A_602 = arith.constant 0 : i32
      %dma_start3A_603 = arith.constant 0 : i32
      %dma_start3A_604 = tpu.memref_slice %arg3[%dma_start3A_602, %dma_start3A_603] : memref<1000000x64xf32, #tpu.memory_space<hbm>> -> memref<1000000x64xf32, #tpu.memory_space<hbm>>
      tpu.enqueue_indirect_dma source(%dma_start3A_604 : memref<1000000x64xf32, #tpu.memory_space<hbm>>) target(%dma_start3A_598 : memref<128x64xf32, #tpu.memory_space<vmem>>) offsets(%dma_start3A_601 : memref<128xi32, #tpu.memory_space<vmem>>) semaphore(%arg8 : memref<!tpu.dma_semaphore, #tpu.memory_space<semaphore_mem>>)
      %mul3A_605 = arith.constant 4 : i32
      %mul3A_606 = arith.muli %add3A_574, %mul3A_605 : i32
      %add3A_607 = arith.constant 2 : i32
      %add3A_608 = arith.addi %mul3A_606, %add3A_607 : i32
      %dma_start3A_609 = arith.constant 1 : i32
      %dma_start3A_610 = arith.constant 256 : i32
      %dma_start3A_611 = arith.constant 0 : i32
      %dma_start3A_612 = tpu.memref_slice %arg6[%dma_start3A_609, %dma_start3A_610, %dma_start3A_611] : memref<2x512x64xf32, #tpu.memory_space<vmem>> -> memref<1x128x64xf32, #tpu.memory_space<vmem>>
      %dma_start3A_613 = tpu.memref_squeeze %dma_start3A_612 : memref<1x128x64xf32, #tpu.memory_space<vmem>> -> memref<128x64xf32, #tpu.memory_space<vmem>>
      %dma_start3A_614 = arith.constant 0 : i32
      %dma_start3A_615 = tpu.memref_slice %arg5[%add3A_608, %dma_start3A_614] : memref<200x128xi32, #tpu.memory_space<vmem>> -> memref<1x128xi32, #tpu.memory_space<vmem>>
      %dma_start3A_616 = tpu.memref_squeeze %dma_start3A_615 : memref<1x128xi32, #tpu.memory_space<vmem>> -> memref<128xi32, #tpu.memory_space<vmem>>
      %dma_start3A_617 = arith.constant 0 : i32
      %dma_start3A_618 = arith.constant 0 : i32
      %dma_start3A_619 = tpu.memref_slice %arg3[%dma_start3A_617, %dma_start3A_618] : memref<1000000x64xf32, #tpu.memory_space<hbm>> -> memref<1000000x64xf32, #tpu.memory_space<hbm>>
      tpu.enqueue_indirect_dma source(%dma_start3A_619 : memref<1000000x64xf32, #tpu.memory_space<hbm>>) target(%dma_start3A_613 : memref<128x64xf32, #tpu.memory_space<vmem>>) offsets(%dma_start3A_616 : memref<128xi32, #tpu.memory_space<vmem>>) semaphore(%arg8 : memref<!tpu.dma_semaphore, #tpu.memory_space<semaphore_mem>>)
      %mul3A_620 = arith.constant 4 : i32
      %mul3A_621 = arith.muli %add3A_574, %mul3A_620 : i32
      %add3A_622 = arith.constant 3 : i32
      %add3A_623 = arith.addi %mul3A_621, %add3A_622 : i32
      %dma_start3A_624 = arith.constant 1 : i32
      %dma_start3A_625 = arith.constant 384 : i32
      %dma_start3A_626 = arith.constant 0 : i32
      %dma_start3A_627 = tpu.memref_slice %arg6[%dma_start3A_624, %dma_start3A_625, %dma_start3A_626] : memref<2x512x64xf32, #tpu.memory_space<vmem>> -> memref<1x128x64xf32, #tpu.memory_space<vmem>>
      %dma_start3A_628 = tpu.memref_squeeze %dma_start3A_627 : memref<1x128x64xf32, #tpu.memory_space<vmem>> -> memref<128x64xf32, #tpu.memory_space<vmem>>
      %dma_start3A_629 = arith.constant 0 : i32
      %dma_start3A_630 = tpu.memref_slice %arg5[%add3A_623, %dma_start3A_629] : memref<200x128xi32, #tpu.memory_space<vmem>> -> memref<1x128xi32, #tpu.memory_space<vmem>>
      %dma_start3A_631 = tpu.memref_squeeze %dma_start3A_630 : memref<1x128xi32, #tpu.memory_space<vmem>> -> memref<128xi32, #tpu.memory_space<vmem>>
      %dma_start3A_632 = arith.constant 0 : i32
      %dma_start3A_633 = arith.constant 0 : i32
      %dma_start3A_634 = tpu.memref_slice %arg3[%dma_start3A_632, %dma_start3A_633] : memref<1000000x64xf32, #tpu.memory_space<hbm>> -> memref<1000000x64xf32, #tpu.memory_space<hbm>>
      tpu.enqueue_indirect_dma source(%dma_start3A_634 : memref<1000000x64xf32, #tpu.memory_space<hbm>>) target(%dma_start3A_628 : memref<128x64xf32, #tpu.memory_space<vmem>>) offsets(%dma_start3A_631 : memref<128xi32, #tpu.memory_space<vmem>>) semaphore(%arg8 : memref<!tpu.dma_semaphore, #tpu.memory_space<semaphore_mem>>)
    }
    %scan3A_102 = arith.constant 24 : i32
    %dma_wait3A = arith.constant 0 : i32
    %dma_wait3A_103 = arith.constant 0 : i32
    %dma_wait3A_104 = arith.constant 0 : i32
    %dma_wait3A_105 = tpu.memref_slice %arg6[%dma_wait3A, %dma_wait3A_103, %dma_wait3A_104] : memref<2x512x64xf32, #tpu.memory_space<vmem>> -> memref<1x512x64xf32, #tpu.memory_space<vmem>>
    %dma_wait3A_106 = tpu.memref_squeeze %dma_wait3A_105 : memref<1x512x64xf32, #tpu.memory_space<vmem>> -> memref<512x64xf32, #tpu.memory_space<vmem>>
    %dma_wait3A_107 = arith.constant 0 : i32
    %dma_wait3A_108 = arith.constant 0 : i32
    %dma_wait3A_109 = tpu.memref_slice %arg3[%dma_wait3A_107, %dma_wait3A_108] : memref<1000000x64xf32, #tpu.memory_space<hbm>> -> memref<512x64xf32, #tpu.memory_space<hbm>>
    %dma_wait3A_110 = arith.constant 0 : i32
    %dma_wait3A_111 = arith.constant 0 : i32
    %dma_wait3A_112 = tpu.memref_slice %arg6[%dma_wait3A, %dma_wait3A_110, %dma_wait3A_111] : memref<2x512x64xf32, #tpu.memory_space<vmem>> -> memref<1x512x64xf32, #tpu.memory_space<vmem>>
    %dma_wait3A_113 = tpu.memref_squeeze %dma_wait3A_112 : memref<1x512x64xf32, #tpu.memory_space<vmem>> -> memref<512x64xf32, #tpu.memory_space<vmem>>
    %dma_wait3A_114 = arith.constant 0 : i32
    %dma_wait3A_115 = arith.constant 0 : i32
    %dma_wait3A_116 = tpu.memref_slice %arg3[%dma_wait3A_114, %dma_wait3A_115] : memref<1000000x64xf32, #tpu.memory_space<hbm>> -> memref<512x64xf32, #tpu.memory_space<hbm>>
    tpu.wait_dma2 semaphore(%arg7 : memref<!tpu.dma_semaphore, #tpu.memory_space<semaphore_mem>>) src(%dma_wait3A_116 : memref<512x64xf32, #tpu.memory_space<hbm>>) dst(%dma_wait3A_113 : memref<512x64xf32, #tpu.memory_space<vmem>>)
    %add3A_117 = arith.constant 786432 : i32
    %add3A_118 = arith.addi %add3A_117, %mul3A_2 : i32
    %dma_start3A_119 = arith.constant 0 : i32
    %dma_start3A_120 = arith.constant 0 : i32
    %dma_start3A_121 = arith.constant 0 : i32
    %dma_start3A_122 = tpu.memref_slice %arg6[%dma_start3A_119, %dma_start3A_120, %dma_start3A_121] : memref<2x512x64xf32, #tpu.memory_space<vmem>> -> memref<1x128x64xf32, #tpu.memory_space<vmem>>
    %dma_start3A_123 = tpu.memref_squeeze %dma_start3A_122 : memref<1x128x64xf32, #tpu.memory_space<vmem>> -> memref<128x64xf32, #tpu.memory_space<vmem>>
    %dma_start3A_124 = arith.constant 0 : i32
    %dma_start3A_125 = tpu.memref_slice %arg4[%add3A_118, %dma_start3A_124] : memref<819200x128xf32, #tpu.memory_space<hbm>> -> memref<128x64xf32, #tpu.memory_space<hbm>>
    %dma_start3A_126 = arith.constant 0 : i32
    %dma_start3A_127 = tpu.memref_slice %arg4[%add3A_118, %dma_start3A_126] : memref<819200x128xf32, #tpu.memory_space<hbm>> -> memref<128x64xf32, #tpu.memory_space<hbm>>
    %dma_start3A_128 = arith.constant 0 : i32
    %dma_start3A_129 = arith.constant 0 : i32
    %dma_start3A_130 = tpu.memref_slice %arg6[%dma_start3A_119, %dma_start3A_128, %dma_start3A_129] : memref<2x512x64xf32, #tpu.memory_space<vmem>> -> memref<1x128x64xf32, #tpu.memory_space<vmem>>
    %dma_start3A_131 = tpu.memref_squeeze %dma_start3A_130 : memref<1x128x64xf32, #tpu.memory_space<vmem>> -> memref<128x64xf32, #tpu.memory_space<vmem>>
    tpu.enqueue_dma source(%dma_start3A_131 : memref<128x64xf32, #tpu.memory_space<vmem>>) target(%dma_start3A_127 : memref<128x64xf32, #tpu.memory_space<hbm>>) target_semaphore(%arg9 : memref<!tpu.dma_semaphore, #tpu.memory_space<semaphore_mem>>)
    %add3A_132 = arith.constant 790528 : i32
    %add3A_133 = arith.addi %add3A_132, %mul3A_2 : i32
    %dma_start3A_134 = arith.constant 0 : i32
    %dma_start3A_135 = arith.constant 128 : i32
    %dma_start3A_136 = arith.constant 0 : i32
    %dma_start3A_137 = tpu.memref_slice %arg6[%dma_start3A_134, %dma_start3A_135, %dma_start3A_136] : memref<2x512x64xf32, #tpu.memory_space<vmem>> -> memref<1x128x64xf32, #tpu.memory_space<vmem>>
    %dma_start3A_138 = tpu.memref_squeeze %dma_start3A_137 : memref<1x128x64xf32, #tpu.memory_space<vmem>> -> memref<128x64xf32, #tpu.memory_space<vmem>>
    %dma_start3A_139 = arith.constant 0 : i32
    %dma_start3A_140 = tpu.memref_slice %arg4[%add3A_133, %dma_start3A_139] : memref<819200x128xf32, #tpu.memory_space<hbm>> -> memref<128x64xf32, #tpu.memory_space<hbm>>
    %dma_start3A_141 = arith.constant 0 : i32
    %dma_start3A_142 = tpu.memref_slice %arg4[%add3A_133, %dma_start3A_141] : memref<819200x128xf32, #tpu.memory_space<hbm>> -> memref<128x64xf32, #tpu.memory_space<hbm>>
    %dma_start3A_143 = arith.constant 128 : i32
    %dma_start3A_144 = arith.constant 0 : i32
    %dma_start3A_145 = tpu.memref_slice %arg6[%dma_start3A_134, %dma_start3A_143, %dma_start3A_144] : memref<2x512x64xf32, #tpu.memory_space<vmem>> -> memref<1x128x64xf32, #tpu.memory_space<vmem>>
    %dma_start3A_146 = tpu.memref_squeeze %dma_start3A_145 : memref<1x128x64xf32, #tpu.memory_space<vmem>> -> memref<128x64xf32, #tpu.memory_space<vmem>>
    tpu.enqueue_dma source(%dma_start3A_146 : memref<128x64xf32, #tpu.memory_space<vmem>>) target(%dma_start3A_142 : memref<128x64xf32, #tpu.memory_space<hbm>>) target_semaphore(%arg9 : memref<!tpu.dma_semaphore, #tpu.memory_space<semaphore_mem>>)
    %add3A_147 = arith.constant 794624 : i32
    %add3A_148 = arith.addi %add3A_147, %mul3A_2 : i32
    %dma_start3A_149 = arith.constant 0 : i32
    %dma_start3A_150 = arith.constant 256 : i32
    %dma_start3A_151 = arith.constant 0 : i32
    %dma_start3A_152 = tpu.memref_slice %arg6[%dma_start3A_149, %dma_start3A_150, %dma_start3A_151] : memref<2x512x64xf32, #tpu.memory_space<vmem>> -> memref<1x128x64xf32, #tpu.memory_space<vmem>>
    %dma_start3A_153 = tpu.memref_squeeze %dma_start3A_152 : memref<1x128x64xf32, #tpu.memory_space<vmem>> -> memref<128x64xf32, #tpu.memory_space<vmem>>
    %dma_start3A_154 = arith.constant 0 : i32
    %dma_start3A_155 = tpu.memref_slice %arg4[%add3A_148, %dma_start3A_154] : memref<819200x128xf32, #tpu.memory_space<hbm>> -> memref<128x64xf32, #tpu.memory_space<hbm>>
    %dma_start3A_156 = arith.constant 0 : i32
    %dma_start3A_157 = tpu.memref_slice %arg4[%add3A_148, %dma_start3A_156] : memref<819200x128xf32, #tpu.memory_space<hbm>> -> memref<128x64xf32, #tpu.memory_space<hbm>>
    %dma_start3A_158 = arith.constant 256 : i32
    %dma_start3A_159 = arith.constant 0 : i32
    %dma_start3A_160 = tpu.memref_slice %arg6[%dma_start3A_149, %dma_start3A_158, %dma_start3A_159] : memref<2x512x64xf32, #tpu.memory_space<vmem>> -> memref<1x128x64xf32, #tpu.memory_space<vmem>>
    %dma_start3A_161 = tpu.memref_squeeze %dma_start3A_160 : memref<1x128x64xf32, #tpu.memory_space<vmem>> -> memref<128x64xf32, #tpu.memory_space<vmem>>
    tpu.enqueue_dma source(%dma_start3A_161 : memref<128x64xf32, #tpu.memory_space<vmem>>) target(%dma_start3A_157 : memref<128x64xf32, #tpu.memory_space<hbm>>) target_semaphore(%arg9 : memref<!tpu.dma_semaphore, #tpu.memory_space<semaphore_mem>>)
    %add3A_162 = arith.constant 798720 : i32
    %add3A_163 = arith.addi %add3A_162, %mul3A_2 : i32
    %dma_start3A_164 = arith.constant 0 : i32
    %dma_start3A_165 = arith.constant 384 : i32
    %dma_start3A_166 = arith.constant 0 : i32
    %dma_start3A_167 = tpu.memref_slice %arg6[%dma_start3A_164, %dma_start3A_165, %dma_start3A_166] : memref<2x512x64xf32, #tpu.memory_space<vmem>> -> memref<1x128x64xf32, #tpu.memory_space<vmem>>
    %dma_start3A_168 = tpu.memref_squeeze %dma_start3A_167 : memref<1x128x64xf32, #tpu.memory_space<vmem>> -> memref<128x64xf32, #tpu.memory_space<vmem>>
    %dma_start3A_169 = arith.constant 0 : i32
    %dma_start3A_170 = tpu.memref_slice %arg4[%add3A_163, %dma_start3A_169] : memref<819200x128xf32, #tpu.memory_space<hbm>> -> memref<128x64xf32, #tpu.memory_space<hbm>>
    %dma_start3A_171 = arith.constant 0 : i32
    %dma_start3A_172 = tpu.memref_slice %arg4[%add3A_163, %dma_start3A_171] : memref<819200x128xf32, #tpu.memory_space<hbm>> -> memref<128x64xf32, #tpu.memory_space<hbm>>
    %dma_start3A_173 = arith.constant 384 : i32
    %dma_start3A_174 = arith.constant 0 : i32
    %dma_start3A_175 = tpu.memref_slice %arg6[%dma_start3A_164, %dma_start3A_173, %dma_start3A_174] : memref<2x512x64xf32, #tpu.memory_space<vmem>> -> memref<1x128x64xf32, #tpu.memory_space<vmem>>
    %dma_start3A_176 = tpu.memref_squeeze %dma_start3A_175 : memref<1x128x64xf32, #tpu.memory_space<vmem>> -> memref<128x64xf32, #tpu.memory_space<vmem>>
    tpu.enqueue_dma source(%dma_start3A_176 : memref<128x64xf32, #tpu.memory_space<vmem>>) target(%dma_start3A_172 : memref<128x64xf32, #tpu.memory_space<hbm>>) target_semaphore(%arg9 : memref<!tpu.dma_semaphore, #tpu.memory_space<semaphore_mem>>)
    %dma_wait3A_177 = arith.constant 1 : i32
    %dma_wait3A_178 = arith.constant 0 : i32
    %dma_wait3A_179 = arith.constant 0 : i32
    %dma_wait3A_180 = tpu.memref_slice %arg6[%dma_wait3A_177, %dma_wait3A_178, %dma_wait3A_179] : memref<2x512x64xf32, #tpu.memory_space<vmem>> -> memref<1x512x64xf32, #tpu.memory_space<vmem>>
    %dma_wait3A_181 = tpu.memref_squeeze %dma_wait3A_180 : memref<1x512x64xf32, #tpu.memory_space<vmem>> -> memref<512x64xf32, #tpu.memory_space<vmem>>
    %dma_wait3A_182 = arith.constant 0 : i32
    %dma_wait3A_183 = arith.constant 0 : i32
    %dma_wait3A_184 = tpu.memref_slice %arg3[%dma_wait3A_182, %dma_wait3A_183] : memref<1000000x64xf32, #tpu.memory_space<hbm>> -> memref<512x64xf32, #tpu.memory_space<hbm>>
    %dma_wait3A_185 = arith.constant 0 : i32
    %dma_wait3A_186 = arith.constant 0 : i32
    %dma_wait3A_187 = tpu.memref_slice %arg6[%dma_wait3A_177, %dma_wait3A_185, %dma_wait3A_186] : memref<2x512x64xf32, #tpu.memory_space<vmem>> -> memref<1x512x64xf32, #tpu.memory_space<vmem>>
    %dma_wait3A_188 = tpu.memref_squeeze %dma_wait3A_187 : memref<1x512x64xf32, #tpu.memory_space<vmem>> -> memref<512x64xf32, #tpu.memory_space<vmem>>
    %dma_wait3A_189 = arith.constant 0 : i32
    %dma_wait3A_190 = arith.constant 0 : i32
    %dma_wait3A_191 = tpu.memref_slice %arg3[%dma_wait3A_189, %dma_wait3A_190] : memref<1000000x64xf32, #tpu.memory_space<hbm>> -> memref<512x64xf32, #tpu.memory_space<hbm>>
    tpu.wait_dma2 semaphore(%arg8 : memref<!tpu.dma_semaphore, #tpu.memory_space<semaphore_mem>>) src(%dma_wait3A_191 : memref<512x64xf32, #tpu.memory_space<hbm>>) dst(%dma_wait3A_188 : memref<512x64xf32, #tpu.memory_space<vmem>>)
    %add3A_192 = arith.constant 802816 : i32
    %add3A_193 = arith.addi %add3A_192, %mul3A_2 : i32
    %dma_start3A_194 = arith.constant 1 : i32
    %dma_start3A_195 = arith.constant 0 : i32
    %dma_start3A_196 = arith.constant 0 : i32
    %dma_start3A_197 = tpu.memref_slice %arg6[%dma_start3A_194, %dma_start3A_195, %dma_start3A_196] : memref<2x512x64xf32, #tpu.memory_space<vmem>> -> memref<1x128x64xf32, #tpu.memory_space<vmem>>
    %dma_start3A_198 = tpu.memref_squeeze %dma_start3A_197 : memref<1x128x64xf32, #tpu.memory_space<vmem>> -> memref<128x64xf32, #tpu.memory_space<vmem>>
    %dma_start3A_199 = arith.constant 0 : i32
    %dma_start3A_200 = tpu.memref_slice %arg4[%add3A_193, %dma_start3A_199] : memref<819200x128xf32, #tpu.memory_space<hbm>> -> memref<128x64xf32, #tpu.memory_space<hbm>>
    %dma_start3A_201 = arith.constant 0 : i32
    %dma_start3A_202 = tpu.memref_slice %arg4[%add3A_193, %dma_start3A_201] : memref<819200x128xf32, #tpu.memory_space<hbm>> -> memref<128x64xf32, #tpu.memory_space<hbm>>
    %dma_start3A_203 = arith.constant 0 : i32
    %dma_start3A_204 = arith.constant 0 : i32
    %dma_start3A_205 = tpu.memref_slice %arg6[%dma_start3A_194, %dma_start3A_203, %dma_start3A_204] : memref<2x512x64xf32, #tpu.memory_space<vmem>> -> memref<1x128x64xf32, #tpu.memory_space<vmem>>
    %dma_start3A_206 = tpu.memref_squeeze %dma_start3A_205 : memref<1x128x64xf32, #tpu.memory_space<vmem>> -> memref<128x64xf32, #tpu.memory_space<vmem>>
    tpu.enqueue_dma source(%dma_start3A_206 : memref<128x64xf32, #tpu.memory_space<vmem>>) target(%dma_start3A_202 : memref<128x64xf32, #tpu.memory_space<hbm>>) target_semaphore(%arg10 : memref<!tpu.dma_semaphore, #tpu.memory_space<semaphore_mem>>)
    %add3A_207 = arith.constant 806912 : i32
    %add3A_208 = arith.addi %add3A_207, %mul3A_2 : i32
    %dma_start3A_209 = arith.constant 1 : i32
    %dma_start3A_210 = arith.constant 128 : i32
    %dma_start3A_211 = arith.constant 0 : i32
    %dma_start3A_212 = tpu.memref_slice %arg6[%dma_start3A_209, %dma_start3A_210, %dma_start3A_211] : memref<2x512x64xf32, #tpu.memory_space<vmem>> -> memref<1x128x64xf32, #tpu.memory_space<vmem>>
    %dma_start3A_213 = tpu.memref_squeeze %dma_start3A_212 : memref<1x128x64xf32, #tpu.memory_space<vmem>> -> memref<128x64xf32, #tpu.memory_space<vmem>>
    %dma_start3A_214 = arith.constant 0 : i32
    %dma_start3A_215 = tpu.memref_slice %arg4[%add3A_208, %dma_start3A_214] : memref<819200x128xf32, #tpu.memory_space<hbm>> -> memref<128x64xf32, #tpu.memory_space<hbm>>
    %dma_start3A_216 = arith.constant 0 : i32
    %dma_start3A_217 = tpu.memref_slice %arg4[%add3A_208, %dma_start3A_216] : memref<819200x128xf32, #tpu.memory_space<hbm>> -> memref<128x64xf32, #tpu.memory_space<hbm>>
    %dma_start3A_218 = arith.constant 128 : i32
    %dma_start3A_219 = arith.constant 0 : i32
    %dma_start3A_220 = tpu.memref_slice %arg6[%dma_start3A_209, %dma_start3A_218, %dma_start3A_219] : memref<2x512x64xf32, #tpu.memory_space<vmem>> -> memref<1x128x64xf32, #tpu.memory_space<vmem>>
    %dma_start3A_221 = tpu.memref_squeeze %dma_start3A_220 : memref<1x128x64xf32, #tpu.memory_space<vmem>> -> memref<128x64xf32, #tpu.memory_space<vmem>>
    tpu.enqueue_dma source(%dma_start3A_221 : memref<128x64xf32, #tpu.memory_space<vmem>>) target(%dma_start3A_217 : memref<128x64xf32, #tpu.memory_space<hbm>>) target_semaphore(%arg10 : memref<!tpu.dma_semaphore, #tpu.memory_space<semaphore_mem>>)
    %add3A_222 = arith.constant 811008 : i32
    %add3A_223 = arith.addi %add3A_222, %mul3A_2 : i32
    %dma_start3A_224 = arith.constant 1 : i32
    %dma_start3A_225 = arith.constant 256 : i32
    %dma_start3A_226 = arith.constant 0 : i32
    %dma_start3A_227 = tpu.memref_slice %arg6[%dma_start3A_224, %dma_start3A_225, %dma_start3A_226] : memref<2x512x64xf32, #tpu.memory_space<vmem>> -> memref<1x128x64xf32, #tpu.memory_space<vmem>>
    %dma_start3A_228 = tpu.memref_squeeze %dma_start3A_227 : memref<1x128x64xf32, #tpu.memory_space<vmem>> -> memref<128x64xf32, #tpu.memory_space<vmem>>
    %dma_start3A_229 = arith.constant 0 : i32
    %dma_start3A_230 = tpu.memref_slice %arg4[%add3A_223, %dma_start3A_229] : memref<819200x128xf32, #tpu.memory_space<hbm>> -> memref<128x64xf32, #tpu.memory_space<hbm>>
    %dma_start3A_231 = arith.constant 0 : i32
    %dma_start3A_232 = tpu.memref_slice %arg4[%add3A_223, %dma_start3A_231] : memref<819200x128xf32, #tpu.memory_space<hbm>> -> memref<128x64xf32, #tpu.memory_space<hbm>>
    %dma_start3A_233 = arith.constant 256 : i32
    %dma_start3A_234 = arith.constant 0 : i32
    %dma_start3A_235 = tpu.memref_slice %arg6[%dma_start3A_224, %dma_start3A_233, %dma_start3A_234] : memref<2x512x64xf32, #tpu.memory_space<vmem>> -> memref<1x128x64xf32, #tpu.memory_space<vmem>>
    %dma_start3A_236 = tpu.memref_squeeze %dma_start3A_235 : memref<1x128x64xf32, #tpu.memory_space<vmem>> -> memref<128x64xf32, #tpu.memory_space<vmem>>
    tpu.enqueue_dma source(%dma_start3A_236 : memref<128x64xf32, #tpu.memory_space<vmem>>) target(%dma_start3A_232 : memref<128x64xf32, #tpu.memory_space<hbm>>) target_semaphore(%arg10 : memref<!tpu.dma_semaphore, #tpu.memory_space<semaphore_mem>>)
    %add3A_237 = arith.constant 815104 : i32
    %add3A_238 = arith.addi %add3A_237, %mul3A_2 : i32
    %dma_start3A_239 = arith.constant 1 : i32
    %dma_start3A_240 = arith.constant 384 : i32
    %dma_start3A_241 = arith.constant 0 : i32
    %dma_start3A_242 = tpu.memref_slice %arg6[%dma_start3A_239, %dma_start3A_240, %dma_start3A_241] : memref<2x512x64xf32, #tpu.memory_space<vmem>> -> memref<1x128x64xf32, #tpu.memory_space<vmem>>
    %dma_start3A_243 = tpu.memref_squeeze %dma_start3A_242 : memref<1x128x64xf32, #tpu.memory_space<vmem>> -> memref<128x64xf32, #tpu.memory_space<vmem>>
    %dma_start3A_244 = arith.constant 0 : i32
    %dma_start3A_245 = tpu.memref_slice %arg4[%add3A_238, %dma_start3A_244] : memref<819200x128xf32, #tpu.memory_space<hbm>> -> memref<128x64xf32, #tpu.memory_space<hbm>>
    %dma_start3A_246 = arith.constant 0 : i32
    %dma_start3A_247 = tpu.memref_slice %arg4[%add3A_238, %dma_start3A_246] : memref<819200x128xf32, #tpu.memory_space<hbm>> -> memref<128x64xf32, #tpu.memory_space<hbm>>
    %dma_start3A_248 = arith.constant 384 : i32
    %dma_start3A_249 = arith.constant 0 : i32
    %dma_start3A_250 = tpu.memref_slice %arg6[%dma_start3A_239, %dma_start3A_248, %dma_start3A_249] : memref<2x512x64xf32, #tpu.memory_space<vmem>> -> memref<1x128x64xf32, #tpu.memory_space<vmem>>
    %dma_start3A_251 = tpu.memref_squeeze %dma_start3A_250 : memref<1x128x64xf32, #tpu.memory_space<vmem>> -> memref<128x64xf32, #tpu.memory_space<vmem>>
    tpu.enqueue_dma source(%dma_start3A_251 : memref<128x64xf32, #tpu.memory_space<vmem>>) target(%dma_start3A_247 : memref<128x64xf32, #tpu.memory_space<hbm>>) target_semaphore(%arg10 : memref<!tpu.dma_semaphore, #tpu.memory_space<semaphore_mem>>)
    %dma_wait3A_252 = arith.constant 0 : i32
    %dma_wait3A_253 = arith.constant 0 : i32
    %dma_wait3A_254 = arith.constant 0 : i32
    %dma_wait3A_255 = tpu.memref_slice %arg6[%dma_wait3A_252, %dma_wait3A_253, %dma_wait3A_254] : memref<2x512x64xf32, #tpu.memory_space<vmem>> -> memref<1x512x64xf32, #tpu.memory_space<vmem>>
    %dma_wait3A_256 = tpu.memref_squeeze %dma_wait3A_255 : memref<1x512x64xf32, #tpu.memory_space<vmem>> -> memref<512x64xf32, #tpu.memory_space<vmem>>
    %dma_wait3A_257 = arith.constant 0 : i32
    %dma_wait3A_258 = arith.constant 0 : i32
    %dma_wait3A_259 = tpu.memref_slice %arg4[%dma_wait3A_257, %dma_wait3A_258] : memref<819200x128xf32, #tpu.memory_space<hbm>> -> memref<512x64xf32, #tpu.memory_space<hbm>>
    %dma_wait3A_260 = arith.constant 0 : i32
    %dma_wait3A_261 = arith.constant 0 : i32
    %dma_wait3A_262 = tpu.memref_slice %arg4[%dma_wait3A_260, %dma_wait3A_261] : memref<819200x128xf32, #tpu.memory_space<hbm>> -> memref<512x64xf32, #tpu.memory_space<hbm>>
    %dma_wait3A_263 = arith.constant 0 : i32
    %dma_wait3A_264 = arith.constant 0 : i32
    %dma_wait3A_265 = tpu.memref_slice %arg6[%dma_wait3A_252, %dma_wait3A_263, %dma_wait3A_264] : memref<2x512x64xf32, #tpu.memory_space<vmem>> -> memref<1x512x64xf32, #tpu.memory_space<vmem>>
    %dma_wait3A_266 = tpu.memref_squeeze %dma_wait3A_265 : memref<1x512x64xf32, #tpu.memory_space<vmem>> -> memref<512x64xf32, #tpu.memory_space<vmem>>
    tpu.wait_dma2 semaphore(%arg9 : memref<!tpu.dma_semaphore, #tpu.memory_space<semaphore_mem>>) src(%dma_wait3A_266 : memref<512x64xf32, #tpu.memory_space<vmem>>) dst(%dma_wait3A_262 : memref<512x64xf32, #tpu.memory_space<hbm>>)
    %dma_wait3A_267 = arith.constant 1 : i32
    %dma_wait3A_268 = arith.constant 0 : i32
    %dma_wait3A_269 = arith.constant 0 : i32
    %dma_wait3A_270 = tpu.memref_slice %arg6[%dma_wait3A_267, %dma_wait3A_268, %dma_wait3A_269] : memref<2x512x64xf32, #tpu.memory_space<vmem>> -> memref<1x512x64xf32, #tpu.memory_space<vmem>>
    %dma_wait3A_271 = tpu.memref_squeeze %dma_wait3A_270 : memref<1x512x64xf32, #tpu.memory_space<vmem>> -> memref<512x64xf32, #tpu.memory_space<vmem>>
    %dma_wait3A_272 = arith.constant 0 : i32
    %dma_wait3A_273 = arith.constant 0 : i32
    %dma_wait3A_274 = tpu.memref_slice %arg4[%dma_wait3A_272, %dma_wait3A_273] : memref<819200x128xf32, #tpu.memory_space<hbm>> -> memref<512x64xf32, #tpu.memory_space<hbm>>
    %dma_wait3A_275 = arith.constant 0 : i32
    %dma_wait3A_276 = arith.constant 0 : i32
    %dma_wait3A_277 = tpu.memref_slice %arg4[%dma_wait3A_275, %dma_wait3A_276] : memref<819200x128xf32, #tpu.memory_space<hbm>> -> memref<512x64xf32, #tpu.memory_space<hbm>>
    %dma_wait3A_278 = arith.constant 0 : i32
    %dma_wait3A_279 = arith.constant 0 : i32
    %dma_wait3A_280 = tpu.memref_slice %arg6[%dma_wait3A_267, %dma_wait3A_278, %dma_wait3A_279] : memref<2x512x64xf32, #tpu.memory_space<vmem>> -> memref<1x512x64xf32, #tpu.memory_space<vmem>>
    %dma_wait3A_281 = tpu.memref_squeeze %dma_wait3A_280 : memref<1x512x64xf32, #tpu.memory_space<vmem>> -> memref<512x64xf32, #tpu.memory_space<vmem>>
    tpu.wait_dma2 semaphore(%arg10 : memref<!tpu.dma_semaphore, #tpu.memory_space<semaphore_mem>>) src(%dma_wait3A_281 : memref<512x64xf32, #tpu.memory_space<vmem>>) dst(%dma_wait3A_277 : memref<512x64xf32, #tpu.memory_space<hbm>>)
    return
  }
}

</mosaic_0001>

<sc_bundles>
// kernel: _embed.3.cloned.1.call-start
scs
__scs_entry_jumppad:
0x0: {  	(pc) =	sbr.rel $0x88, $3  }
0x1: {  	(tag) =	ssettag $0x0;
	lr =	simm.s32 $0x1  }
0x2: {  	[smem:$0x3F9F] =	sst lr;
	_ =	strace $0xD0000000  }
0x3: {  	_ = 	snop  }
0x4: {  	_ = 	snop  }
0x5: {  	_ = 	snop  }
0x6: {  	_ = 	snop  }
0x7: {  	_ = 	snop  }
__scs_overlays_trampoline_lowered:
0x8: {  	[smem:$0x3FAE] =	sst s0  }
0x9: {  	[smem:$0x3FAF] =	sst s1  }
0xa: {  	[smem:$0x3FB0] =	sst s2  }
0xb: {  	[smem:$0x3FB1] =	sst s3  }
0xc: {  	[smem:$0x3FB2] =	sst s4  }
0xd: {  	[smem:$0x3FB3] =	sst s5  }
0xe: {  	[smem:$0x3FB4] =	sst s6  }
0xf: {  	[smem:$0x3FB5] =	sst s7  }
0x10: {  	[smem:$0x3FB6] =	sst s8  }
0x11: {  	[smem:$0x3FB7] =	sst s9;
	s0 =	simm.s32 @!p0 $0x0  }
0x12: {  	s1 =	sld [smem:$0x3F9D];
	s0 =	simm.s32 @p0 $0x1  }
0x13: {  	[smem:$0x3FB8] =	sst s0;
	s0 =	simm.s32 @!p1 $0x0  }
0x14: {  	s2 =	sld [smem:$0x3F9C];
	s0 =	simm.s32 @p1 $0x1  }
0x15: {  	[smem:$0x3FB9] =	sst s0;
	s0 =	simm.s32 @!p2 $0x0  }
0x16: {  	s3 =	sld [smem:$0x3FDB];
	s0 =	simm.s32 @p2 $0x1  }
0x17: {  	s4 =	simm.s32 $0x1BF5;
	[smem:$0x3FBB] =	sst s0  }
0x18: {  	s0 =	sld [smem:$0x3F9E];
	_ =	swait.ge [sflag:s4], $0x0  }
0x19: {  	s7 =	sld [smem:$0x3F9F]  }
0x1a: {  	s8 =	sadd.s32 $0xFFFFE003, lr  }
0x1b: {  	s9 =	sadd.s32 $0xFFFFFEF7, lr;
	s5 =	simm.s32 $0xFFFFFFFF;
	p2 =	slt.u32 s8, $0xFFFFF086  }
0x1c: {  	p1 =	slt.u32 s9, $0xF7A;
	s5 =	simm.s32 @!p2 $0x0  }
0x1d: {  	s5 =	simm.s32 @p1 $0x1;
	p0 =	seq.s32 s7, s2  }
0x1e: {  	s7 =	smul.u32 @!p0 $0xF7A, s2;
	p2 =	seq.s32 @!p0 s5, $0x0  }
0x1f: {  	s9 =	smul.u32 $0xF7A, s1;
	s8 =	simm.s32 @!p0 $0x1BF5;
	p2 =	por !p2, p0  }
0x20: {  	[sflag:s8] =	ssyncset.s32 @!p0 $0xFFFFF086;
	s6 =	sadd.s32 @!p0 s3, s7;
	s7 =	simm.s32 @!p0 $0x108  }
0x21: {  	s3 =	sadd.s32 s3, s9;
	s6 =	sadd.s32 @!p0 $0x88, s6;
	s7 =	simm.s32 @p2 $0x1082  }
0x22: {  	[simem:s7], [sflag:s8] =	dma.local @!p0 [hbm:s6], $0xF7A  }
0x23: {  	s9 =	sor.u32 $0xD0000000, s2;
	s6 =	simm.s32 $0x108;
	_ =	swait.ge @!p0 [sflag:s8], $0x0  }
0x24: {  	s3 =	sadd.s32 $0x88, s3;
	s6 =	simm.s32 @!p1 $0x1082;
	[sflag:s4] =	ssyncset.s32 $0xFFFFF086  }
0x25: {  	[simem:s6], [sflag:s4] =	dma.local [hbm:s3], $0xF7A  }
0x26: {  	[smem:$0x3F9F] =	sst s1;
	(tag) =	ssettag s2;
	_ =	strace s9  }
0x27: {  	s1 =	sld [smem:$0x3FAF]  }
0x28: {  	s2 =	sld [smem:$0x3FB0]  }
0x29: {  	s4 =	sld [smem:$0x3FB2]  }
0x2a: {  	p0 =	seq.s32 s5, $0x0;
	s5 =	sld [smem:$0x3FB3]  }
0x2b: {  	s6 =	sld [smem:$0x3FB4]  }
0x2c: {  	s7 =	sld [smem:$0x3FB5]  }
0x2d: {  	s3 =	simm.s32 $0x108;
	s8 =	sld [smem:$0x3FB6]  }
0x2e: {  	s3 =	simm.s32 @!p0 $0x1082;
	s9 =	sld [smem:$0x3FB7]  }
0x2f: {  	lr =	sadd.s32 s0, s3;
	s0 =	sld [smem:$0x3FAE]  }
0x30: {  	s3 =	sld [smem:$0x3FB1]  }
0x31: {  	[smem:$0x3FBA] =	sst s10  }
0x32: {  	s10 =	sld [smem:$0x3FB8];
	_ =	sdelay $0x3  }
0x33: {  	p0 =	seq.s32 s10, $0x1;
	s10 =	sld [smem:$0x3FBA];
	_ =	sdelay $0x3  }
0x34: {  	[smem:$0x3FBA] =	sst s10  }
0x35: {  	s10 =	sld [smem:$0x3FB9];
	_ =	sdelay $0x3  }
0x36: {  	p1 =	seq.s32 s10, $0x1;
	s10 =	sld [smem:$0x3FBA];
	_ =	sdelay $0x3  }
0x37: {  	[smem:$0x3FBA] =	sst s10  }
0x38: {  	s10 =	sld [smem:$0x3FBB]  }
0x39: {  	_ = 	snop;
	(pc) =	sbr.ind lr, $3  }
0x3a: {  	_ = 	snop  }
0x3b: {  	_ = 	snop  }
0x3c: {  	p2 =	seq.s32 s10, $0x1;
	s10 =	sld [smem:$0x3FBA]  }
0x3d: {  	_ =	shalt  }
0x3e: {  	_ =	shalt  }
0x3f: {  	_ =	shalt  }
0x40: {  	_ =	shalt  }
0x41: {  	_ =	shalt  }
0x42: {  	_ =	shalt  }
0x43: {  	_ =	shalt  }
0x44: {  	_ =	shalt  }
0x45: {  	_ =	shalt  }
0x46: {  	_ =	shalt  }
0x47: {  	_ =	shalt  }
0x48: {  	_ =	shalt  }
0x49: {  	_ =	shalt  }
0x4a: {  	_ =	shalt  }
0x4b: {  	_ =	shalt  }
0x4c: {  	_ =	shalt  }
0x4d: {  	_ =	shalt  }
0x4e: {  	_ =	shalt  }
0x4f: {  	_ =	shalt  }
0x50: {  	_ =	shalt  }
0x51: {  	_ =	shalt  }
0x52: {  	_ =	shalt  }
0x53: {  	_ =	shalt  }
0x54: {  	_ =	shalt  }
0x55: {  	_ =	shalt  }
0x56: {  	_ =	shalt  }
0x57: {  	_ =	shalt  }
0x58: {  	_ =	shalt  }
0x59: {  	_ =	shalt  }
0x5a: {  	_ =	shalt  }
0x5b: {  	_ =	shalt  }
0x5c: {  	_ =	shalt  }
0x5d: {  	_ =	shalt  }
0x5e: {  	_ =	shalt  }
0x5f: {  	_ =	shalt  }
0x60: {  	_ =	shalt  }
0x61: {  	_ =	shalt  }
0x62: {  	_ =	shalt  }
0x63: {  	_ =	shalt  }
0x64: {  	_ =	shalt  }
0x65: {  	_ =	shalt  }
0x66: {  	_ =	shalt  }
0x67: {  	_ =	shalt  }
0x68: {  	_ =	shalt  }
0x69: {  	_ =	shalt  }
0x6a: {  	_ =	shalt  }
0x6b: {  	_ =	shalt  }
0x6c: {  	_ =	shalt  }
0x6d: {  	_ =	shalt  }
0x6e: {  	_ =	shalt  }
0x6f: {  	_ =	shalt  }
0x70: {  	_ =	shalt  }
0x71: {  	_ =	shalt  }
0x72: {  	_ =	shalt  }
0x73: {  	_ =	shalt  }
0x74: {  	_ =	shalt  }
0x75: {  	_ =	shalt  }
0x76: {  	_ =	shalt  }
0x77: {  	_ =	shalt  }
0x78: {  	_ =	shalt  }
0x79: {  	_ =	shalt  }
0x7a: {  	_ =	shalt  }
0x7b: {  	_ =	shalt  }
0x7c: {  	_ =	shalt  }
0x7d: {  	_ =	shalt  }
0x7e: {  	_ =	shalt  }
0x7f: {  	_ =	shalt  }
0x80: {  	_ =	shalt  }
0x81: {  	_ =	shalt  }
0x82: {  	_ =	shalt  }
0x83: {  	_ =	shalt  }
0x84: {  	_ =	shalt  }
0x85: {  	_ =	shalt  }
0x86: {  	_ =	shalt  }
0x87: {  	_ =	shalt  }
.Lfunc_end0:
.L_simem_size_0:
called_computation_lowered:
.L_overlay_start_0:
0x88: {  	s2 =	sld [smem:$0x3FD9]  }
0x89: {  	s3 =	sld [smem:$0x3FFE];
	_ =	sdelay $0x1  }
0x8a: {  	s1 =	srdreg.scid  }
0x8b: {  	s0 =	sand.u32 $0x1, s1  }
0x8c: {  	s17 =	sshll.u32 s0, $0xA;
	s2 =	sadd.s32 s3, s2  }
0x8d: {  	s2 =	sadd.s32 s2, s17  }
0x8e: {  	[smem:$0x3FC6] =	sst s2  }
0x8f: {  	_ = 	snop  }
0x90: {  	s2 =	sld [smem:$0x3FD0];
	(tm) =	ssettm $0x1  }
0x91: {  	s18 =	sld [smem:$0x3FFB];
	_ =	sdelay $0x3  }
0x92: {  	_ =	strace s18  }
0x93: {  	s3 =	sld [smem:$0x3FFC];
	_ =	sdelay $0x3  }
0x94: {  	_ =	strace s3  }
0x95: {  	s3 =	sld [smem:$0x3FFD];
	_ =	sdelay $0x3  }
0x96: {  	_ =	strace s3  }
0x97: {  	_ =	strace $0x8FFFFFFF  }
0x98: {  	s19 =	sld [smem:$0x3FDB];
	_ =	sdelay $0x1  }
0x99: {  	s4 =	simm.s32 $_scs_section_size  }
0x9a: {  	s5 =	simm.s32 $_size__tile_overlayer_lowered;
	s6 =	simm.s32 $_tile_overlayer_lowered  }
0x9b: {  	s22 =	simm.s32 $0x1BFF;
	s21 =	sshll.u32 s6, $0x1;
	s3 =	sadd.s32 s4, s19  }
0x9c: {  	s7 =	simm.s32 $0x0;
	s20 =	sshll.u32 s5, $0x1;
	s5 =	sadd.s32 s21, s3  }
0x9d: {  	[timem:s7], [sflag:s22] =	dma.local [hbm:s5], s20  }
0x9e: {  	_ =	swait.ge [sflag:s22], s20  }
0x9f: {  	s4 =	ssub.s32 $0x0, s20;
	[sflag:s22] =	ssyncset.done $0x0  }
0xa0: {  	[sflag:s22] =	ssyncadd.s32 s4;
	_ =	sdelay $0x1  }
0xa1: {  	s23 =	simm.s32 $0x1B8B  }
0xa2: {  	_ =	swait.ge [sflag:s23], $0x1  }
0xa3: {  	[sflag:s23] =	ssyncset.done $0x0  }
0xa4: {  	s25 =	simm.s32 $0x1B8E;
	s24 =	sld [smem:$0x3FFE];
	[sflag:s23] =	ssyncadd.s32 $0xFFFFFFFF  }
0xa5: {  	s26 =	simm.s32 $execute0_lowered;
	[smem:$0x3FD2] =	sst s25  }
0xa6: {  	s5 =	sshll.u32 s26, $0x1;
	_ =	strace $0x80000046;
	[dreg:$0x1] =	wrdreg $0xFFFFFFFF  }
0xa7: {  	s28 =	simm.s32 $_size_execute0_lowered;
	s3 =	sadd.s32 s3, s5;
	[dreg:$0x0] =	wrdreg $0x0  }
0xa8: {  	s5 =	sshll.u32 s28, $0x1;
	[dreg:$0x2] =	wrdreg s3  }
0xa9: {  	[dreg:$0x3] =	wrdreg s5  }
0xaa: {  	[dreg:$0x4] =	wrdreg $0xC0  }
0xab: {  	_ =	task [dreg:s7], $0x5FFFF  }
0xac: {  	[dreg:$0x1] =	wrdreg $0xFFFFFFFF  }
0xad: {  	[dreg:$0x0] =	wrdreg $0x60  }
0xae: {  	[dreg:$0x2] =	wrdreg s24  }
0xaf: {  	[dreg:$0x3] =	wrdreg s2  }
0xb0: {  	[dreg:$0x4] =	wrdreg $0x9  }
0xb1: {  	_ =	task.clear_ibuf [dreg:s7], $0x5FFFF;
	_ =	strace $0x90000046  }
0xb2: {  	s29 =	simm.s32 $0x9;
	_ =	strace $0x80000048  }
0xb3: {  	_ =	swait.ge [sflag:s29], $0x1  }
0xb4: {  	[sflag:s29] =	ssyncadd.s32 $0xFFFFFFFF  }
0xb5: {  	_ =	strace $0x90000048  }
0xb6: {  	_ =	sfence  }
0xb7: {  	s30 =	sld [smem:$0x0];
	_ =	sdelay $0x2  }
0xb8: {  	s31 =	sshll.u32 s1, $0xD;
	s1 =	sshrl.u32 s1, $0x2  }
0xb9: {  	s3 =	sand.u32 $0x4000, s31;
	s1 =	sadd.s32 s1, s30  }
0xba: {  	s0 =	sor.u32 s3, s0;
	s1 =	sshll.u32 s1, $0x11  }
0xbb: {  	s0 =	sor.u32 s1, s0  }
0xbc: {  	s0 =	sadd.s32 $0x8F2B, s0  }
0xbd: {  	[sflag:s0] =	ssyncadd.remote.s32 $0x1  }
0xbe: {  	_ =	sfence.sel $0xFFFF  }
0xbf: {  	[dreg:$0x0] =	wrdreg $0xFFFFFFFF;
	(pc) =	sbr.abs _section_cstart, $3  }
0xc0: {  	[dreg:$0x1] =	wrdreg $0xFFFFFFFF  }
0xc1: {  	_ =	task.clear_ibuf [dreg:s7], $0x2FFFF;
	_ =	strace $0x9FFFFFFF  }
0xc2: {  	(tm) =	ssettm $0x7FFFFFFF  }
0xc3: {  	_ =	shalt  }
tec
execute0_lowered:
.L_overlay_start_1:
0x0: {  	(tag) =	ssettag $0x1  }
0x1: {  	s0 =	rddreg [dreg:$0x0]  }
0x2: {  	s1 =	rddreg [dreg:$0x1];
	s2 =	srdreg.scid  }
0x3: {  	s11 =	stileid.u32;
	s5 =	simm.s32 $0x0;
	s15 =	simm.s32 $0x80  }
0x4: {  	s17 =	simm.s32 $0x5;
	s18 =	simm.s32 $0x6400;
	s19 =	simm.s32 $0x8400  }
0x5: {  	s21 =	simm.s32 $0xA400;
	s23 =	simm.s32 $0xC400;
	s25 =	simm.s32 $0xE400  }
0x6: {  	s28 =	simm.s32 $0x10400;
	s30 =	simm.s32 $0x12400;
	s16 =	simm.s32 $0x40  }
0x7: {  	s20 =	simm.s32 $0x3;
	s22 =	simm.s32 $0x2;
	s24 =	simm.s32 $0x4  }
0x8: {  	s2 =	sand.u32 $0x1, s2;
	s3 =	sshll.u32 s11, $0x8;
	[smem:$0x7FF] =	sst s5  }
0x9: {  	s13 =	sshll.u32 s11, $0xC;
	s4 =	sshll.u32 s2, $0x7;
	_ =	strace $0x80000047  }
0xa: {  	s26 =	ssub.s32 $0x2, s2;
	s2 =	sshll.u32 s2, $0xB;
	s3 =	sor.u32 s4, s3  }
0xb: {  	s29 =	sshrl.u32 s26, $0x1;
	s4 =	sshrl.u32 s3, $0x3;
	s6 =	sshll.u32 s3, $0x4  }
0xc: {  	s3 =	sadd.s32 $0xF42A00, s0;
	s4 =	sadd.s32 s4, s0;
	s12 =	sadd.s32 s6, s1  }
0xd: {  	s0 =	ssub.s32 s26, s29;
	s1 =	sadd.s32 s13, s1;
	s26 =	simm.s32 $0x0  }
0xe: {  	s4 =	sadd.s32 $0x600, s4;
	s5 =	sadd.s32 $0xC00000, s12;
	s6 =	sadd.s32 $0xC10000, s12  }
0xf: {  	s7 =	sadd.s32 $0xC20000, s12;
	s8 =	sadd.s32 $0xC30000, s12;
	s9 =	sadd.s32 $0xC40000, s12  }
0x10: {  	s10 =	sadd.s32 $0xC50000, s12;
	s11 =	sadd.s32 $0xC60000, s12;
	s12 =	sadd.s32 $0xC70000, s12  }
0x11: {  	s13 =	smax.u32 s0, $0x1;
	s31 =	sadd.s32 s2, s1;
	s0 =	simm.s32 $0x14400  }
0x12: {  	s1 =	simm.s32 $0x1;
	[dreg:$0x3] =	wrdreg s4;
	s14 =	sadd.s32 $0x70000, s31  }
.LBB2_1:
0x13: {  	s2 =	simm.s32 $0x0;
	s4 =	rddreg [dreg:$0x3];
	s29 =	simm.s32 $0x1000  }
0x14: {  	[tilespmem:s2], [sflag:$0x5] =	stream.strided.gather [hbm4b:s4+s15], $0x6400, s29, s15, $0x38;
	[tilespmem:$0x16400] =	vst v63  }
0x15: {  	_ =	swait.ge [sflag:s17], $0x6400  }
0x16: {  	[sflag:s17] =	ssyncset.done $0x0  }
0x17: {  	[sflag:s17] =	ssyncadd.s32 $0xFFFF9C00  }
0x18: {  	[tilespmem:s18], [sflag:$0x1] =	stream.indirect.gather [hbm4b:s3+s15], $0x40, s2, s15, $0xb8;
	[tilespmem:$0x16400] =	vst v63  }
0x19: {  	_ = 	snop  }
0x1a: {  	[tilespmem:s19], [sflag:$0x1] =	stream.indirect.gather [hbm4b:s3+s15], $0x40, s15, s15, $0xb8;
	[tilespmem:$0x16400] =	vst v63  }
0x1b: {  	s4 =	simm.s32 $0x100  }
0x1c: {  	[tilespmem:s21], [sflag:$0x1] =	stream.indirect.gather [hbm4b:s3+s15], $0x40, s4, s15, $0xb8;
	[tilespmem:$0x16400] =	vst v63  }
0x1d: {  	s4 =	simm.s32 $0x180  }
0x1e: {  	[tilespmem:s23], [sflag:$0x1] =	stream.indirect.gather [hbm4b:s3+s15], $0x40, s4, s15, $0xb8;
	[tilespmem:$0x16400] =	vst v63  }
0x1f: {  	s4 =	simm.s32 $0x200  }
0x20: {  	[tilespmem:s25], [sflag:$0x2] =	stream.indirect.gather [hbm4b:s3+s15], $0x40, s4, s15, $0xb8;
	[tilespmem:$0x16400] =	vst v63  }
0x21: {  	s4 =	simm.s32 $0x280  }
0x22: {  	[tilespmem:s28], [sflag:$0x2] =	stream.indirect.gather [hbm4b:s3+s15], $0x40, s4, s15, $0xb8;
	[tilespmem:$0x16400] =	vst v63  }
0x23: {  	s4 =	simm.s32 $0x300  }
0x24: {  	[tilespmem:s30], [sflag:$0x2] =	stream.indirect.gather [hbm4b:s3+s15], $0x40, s4, s15, $0xb8;
	[tilespmem:$0x16400] =	vst v63  }
0x25: {  	s4 =	simm.s32 $0x380  }
0x26: {  	[tilespmem:s0], [sflag:$0x2] =	stream.indirect.gather [hbm4b:s3+s15], $0x40, s4, s15, $0xb8;
	[tilespmem:$0x16400] =	vst v63  }
0x27: {  	_ =	swait.ge [sflag:s1], $0x8000  }
0x28: {  	[sflag:s1] =	ssyncset.done $0x0  }
0x29: {  	s4 =	sadd.s32 $0xFFF90000, s14;
	[sflag:s1] =	ssyncadd.s32 $0xFFFF8000  }
0x2a: {  	[hbm4b:s4+s16] =	stream.strided.scatter [tilespmem:s18], [sflag:$0x3], $0x2000, s15, s16, $0x38;
	[tilespmem:$0x16400] =	vst v63  }
0x2b: {  	s4 =	sadd.s32 $0xFFFA0000, s14  }
0x2c: {  	[hbm4b:s4+s16] =	stream.strided.scatter [tilespmem:s19], [sflag:$0x3], $0x2000, s15, s16, $0x38;
	[tilespmem:$0x16400] =	vst v63  }
0x2d: {  	s4 =	sadd.s32 $0xFFFB0000, s14  }
0x2e: {  	[hbm4b:s4+s16] =	stream.strided.scatter [tilespmem:s21], [sflag:$0x3], $0x2000, s15, s16, $0x38;
	[tilespmem:$0x16400] =	vst v63  }
0x2f: {  	s4 =	sadd.s32 $0xFFFC0000, s14  }
0x30: {  	[hbm4b:s4+s16] =	stream.strided.scatter [tilespmem:s23], [sflag:$0x3], $0x2000, s15, s16, $0x38;
	[tilespmem:$0x16400] =	vst v63  }
0x31: {  	_ =	swait.ge [sflag:s20], $0x8000  }
0x32: {  	[sflag:s20] =	ssyncset.done $0x0  }
0x33: {  	s4 =	simm.s32 $0x400;
	[sflag:s20] =	ssyncadd.s32 $0xFFFF8000  }
0x34: {  	[tilespmem:s18], [sflag:$0x1] =	stream.indirect.gather [hbm4b:s3+s15], $0x40, s4, s15, $0xb8;
	[tilespmem:$0x16400] =	vst v63  }
0x35: {  	s4 =	simm.s32 $0x480  }
0x36: {  	[tilespmem:s19], [sflag:$0x1] =	stream.indirect.gather [hbm4b:s3+s15], $0x40, s4, s15, $0xb8;
	[tilespmem:$0x16400] =	vst v63  }
0x37: {  	s4 =	simm.s32 $0x500  }
0x38: {  	[tilespmem:s21], [sflag:$0x1] =	stream.indirect.gather [hbm4b:s3+s15], $0x40, s4, s15, $0xb8;
	[tilespmem:$0x16400] =	vst v63  }
0x39: {  	s4 =	simm.s32 $0x580  }
0x3a: {  	[tilespmem:s23], [sflag:$0x1] =	stream.indirect.gather [hbm4b:s3+s15], $0x40, s4, s15, $0xb8;
	[tilespmem:$0x16400] =	vst v63  }
0x3b: {  	_ =	swait.ge [sflag:s22], $0x8000  }
0x3c: {  	[sflag:s22] =	ssyncset.done $0x0  }
0x3d: {  	s4 =	sadd.s32 $0xFFFD0000, s14;
	[sflag:s22] =	ssyncadd.s32 $0xFFFF8000  }
0x3e: {  	[hbm4b:s4+s16] =	stream.strided.scatter [tilespmem:s25], [sflag:$0x4], $0x2000, s15, s16, $0x38;
	[tilespmem:$0x16400] =	vst v63  }
0x3f: {  	s4 =	sadd.s32 $0xFFFE0000, s14  }
0x40: {  	[hbm4b:s4+s16] =	stream.strided.scatter [tilespmem:s28], [sflag:$0x4], $0x2000, s15, s16, $0x38;
	[tilespmem:$0x16400] =	vst v63  }
0x41: {  	s4 =	sadd.s32 $0xFFFF0000, s14  }
0x42: {  	[hbm4b:s4+s16] =	stream.strided.scatter [tilespmem:s30], [sflag:$0x4], $0x2000, s15, s16, $0x38;
	[tilespmem:$0x16400] =	vst v63  }
0x43: {  	_ = 	snop  }
0x44: {  	[hbm4b:s14+s16] =	stream.strided.scatter [tilespmem:s0], [sflag:$0x4], $0x2000, s15, s16, $0x38;
	[tilespmem:$0x16400] =	vst v63  }
0x45: {  	_ =	swait.ge [sflag:s24], $0x8000  }
0x46: {  	[sflag:s24] =	ssyncset.done $0x0  }
0x47: {  	s4 =	simm.s32 $0x600;
	[sflag:s24] =	ssyncadd.s32 $0xFFFF8000  }
0x48: {  	[tilespmem:s25], [sflag:$0x2] =	stream.indirect.gather [hbm4b:s3+s15], $0x40, s4, s15, $0xb8;
	[tilespmem:$0x16400] =	vst v63  }
0x49: {  	s31 =	sadd.s32 $0x80000, s14;
	s4 =	simm.s32 $0x680  }
0x4a: {  	[tilespmem:s28], [sflag:$0x2] =	stream.indirect.gather [hbm4b:s3+s15], $0x40, s4, s15, $0xb8;
	[tilespmem:$0x16400] =	vst v63  }
0x4b: {  	s29 =	simm.s32 $0x1000;
	s2 =	simm.s32 $0x780;
	s4 =	simm.s32 $0x700  }
0x4c: {  	[tilespmem:s30], [sflag:$0x2] =	stream.indirect.gather [hbm4b:s3+s15], $0x40, s4, s15, $0xb8;
	[tilespmem:$0x16400] =	vst v63  }
.LBB2_2:
0x4d: {  	[tilespmem:s0], [sflag:$0x2] =	stream.indirect.gather [hbm4b:s3+s15], $0x40, s2, s15, $0xb8;
	[tilespmem:$0x16400] =	vst v63  }
0x4e: {  	s2 =	smov.u32 s29  }
0x4f: {  	p0 =	sne.s32 s29, $0x17000;
	s29 =	sadd.s32 $0x1000, s29;
	_ =	swait.ge [sflag:s1], $0x8000  }
0x50: {  	[sflag:s1] =	ssyncset.done $0x0  }
0x51: {  	s4 =	sadd.s32 $0xFFF90000, s31;
	[sflag:s1] =	ssyncadd.s32 $0xFFFF8000  }
0x52: {  	[hbm4b:s4+s16] =	stream.strided.scatter [tilespmem:s18], [sflag:$0x3], $0x2000, s15, s16, $0x38;
	[tilespmem:$0x16400] =	vst v63  }
0x53: {  	s4 =	sadd.s32 $0xFFFA0000, s31  }
0x54: {  	[hbm4b:s4+s16] =	stream.strided.scatter [tilespmem:s19], [sflag:$0x3], $0x2000, s15, s16, $0x38;
	[tilespmem:$0x16400] =	vst v63  }
0x55: {  	s4 =	sadd.s32 $0xFFFB0000, s31  }
0x56: {  	[hbm4b:s4+s16] =	stream.strided.scatter [tilespmem:s21], [sflag:$0x3], $0x2000, s15, s16, $0x38;
	[tilespmem:$0x16400] =	vst v63  }
0x57: {  	s4 =	sadd.s32 $0xFFFC0000, s31  }
0x58: {  	[hbm4b:s4+s16] =	stream.strided.scatter [tilespmem:s23], [sflag:$0x3], $0x2000, s15, s16, $0x38;
	[tilespmem:$0x16400] =	vst v63  }
0x59: {  	_ =	swait.ge [sflag:s20], $0x8000  }
0x5a: {  	s2 =	sshra.s32 s2, $0x2;
	[sflag:s20] =	ssyncset.done $0x0  }
0x5b: {  	s4 =	sadd.s32 $0x400, s2;
	[sflag:s20] =	ssyncadd.s32 $0xFFFF8000  }
0x5c: {  	[tilespmem:s18], [sflag:$0x1] =	stream.indirect.gather [hbm4b:s3+s15], $0x40, s4, s15, $0xb8;
	[tilespmem:$0x16400] =	vst v63  }
0x5d: {  	s4 =	sadd.s32 $0x480, s2  }
0x5e: {  	[tilespmem:s19], [sflag:$0x1] =	stream.indirect.gather [hbm4b:s3+s15], $0x40, s4, s15, $0xb8;
	[tilespmem:$0x16400] =	vst v63  }
0x5f: {  	s4 =	sadd.s32 $0x500, s2  }
0x60: {  	[tilespmem:s21], [sflag:$0x1] =	stream.indirect.gather [hbm4b:s3+s15], $0x40, s4, s15, $0xb8;
	[tilespmem:$0x16400] =	vst v63  }
0x61: {  	s4 =	sadd.s32 $0x580, s2  }
0x62: {  	[tilespmem:s23], [sflag:$0x1] =	stream.indirect.gather [hbm4b:s3+s15], $0x40, s4, s15, $0xb8;
	[tilespmem:$0x16400] =	vst v63  }
0x63: {  	_ =	swait.ge [sflag:s22], $0x8000  }
0x64: {  	[sflag:s22] =	ssyncset.done $0x0  }
0x65: {  	s4 =	sadd.s32 $0xFFFD0000, s31;
	[sflag:s22] =	ssyncadd.s32 $0xFFFF8000  }
0x66: {  	[hbm4b:s4+s16] =	stream.strided.scatter [tilespmem:s25], [sflag:$0x4], $0x2000, s15, s16, $0x38;
	[tilespmem:$0x16400] =	vst v63  }
0x67: {  	s4 =	sadd.s32 $0xFFFE0000, s31  }
0x68: {  	[hbm4b:s4+s16] =	stream.strided.scatter [tilespmem:s28], [sflag:$0x4], $0x2000, s15, s16, $0x38;
	[tilespmem:$0x16400] =	vst v63  }
0x69: {  	s4 =	sadd.s32 $0xFFFF0000, s31  }
0x6a: {  	[hbm4b:s4+s16] =	stream.strided.scatter [tilespmem:s30], [sflag:$0x4], $0x2000, s15, s16, $0x38;
	[tilespmem:$0x16400] =	vst v63  }
0x6b: {  	_ = 	snop  }
0x6c: {  	[hbm4b:s31+s16] =	stream.strided.scatter [tilespmem:s0], [sflag:$0x4], $0x2000, s15, s16, $0x38;
	[tilespmem:$0x16400] =	vst v63  }
0x6d: {  	_ =	swait.ge [sflag:s24], $0x8000  }
0x6e: {  	[sflag:s24] =	ssyncset.done $0x0  }
0x6f: {  	s4 =	sadd.s32 $0x600, s2;
	[sflag:s24] =	ssyncadd.s32 $0xFFFF8000  }
0x70: {  	[tilespmem:s25], [sflag:$0x2] =	stream.indirect.gather [hbm4b:s3+s15], $0x40, s4, s15, $0xb8;
	[tilespmem:$0x16400] =	vst v63  }
.Ltmp0:
0x71: {  	s4 =	sadd.s32 $0x680, s2;
	(pc) =	sbr.rel @p0 .LBB2_2-.Ltmp0, $4  }
0x72: {  	[tilespmem:s28], [sflag:$0x2] =	stream.indirect.gather [hbm4b:s3+s15], $0x40, s4, s15, $0xb8;
	[tilespmem:$0x16400] =	vst v63  }
0x73: {  	s4 =	sadd.s32 $0x700, s2  }
0x74: {  	[tilespmem:s30], [sflag:$0x2] =	stream.indirect.gather [hbm4b:s3+s15], $0x40, s4, s15, $0xb8;
	[tilespmem:$0x16400] =	vst v63  }
0x75: {  	s31 =	sadd.s32 $0x80000, s31;
	s2 =	sadd.s32 $0x780, s2  }
0x76: {  	[tilespmem:s0], [sflag:$0x2] =	stream.indirect.gather [hbm4b:s3+s15], $0x40, s2, s15, $0xb8;
	[tilespmem:$0x16400] =	vst v63  }
0x77: {  	_ =	swait.ge [sflag:s1], $0x8000  }
0x78: {  	[sflag:s1] =	ssyncset.done $0x0  }
0x79: {  	[sflag:s1] =	ssyncadd.s32 $0xFFFF8000  }
0x7a: {  	[hbm4b:s5+s16] =	stream.strided.scatter [tilespmem:s18], [sflag:$0x3], $0x2000, s15, s16, $0x38;
	[tilespmem:$0x16400] =	vst v63  }
0x7b: {  	_ = 	snop  }
0x7c: {  	[hbm4b:s6+s16] =	stream.strided.scatter [tilespmem:s19], [sflag:$0x3], $0x2000, s15, s16, $0x38;
	[tilespmem:$0x16400] =	vst v63  }
0x7d: {  	_ = 	snop  }
0x7e: {  	[hbm4b:s7+s16] =	stream.strided.scatter [tilespmem:s21], [sflag:$0x3], $0x2000, s15, s16, $0x38;
	[tilespmem:$0x16400] =	vst v63  }
0x7f: {  	_ = 	snop  }
0x80: {  	[hbm4b:s8+s16] =	stream.strided.scatter [tilespmem:s23], [sflag:$0x3], $0x2000, s15, s16, $0x38;
	[tilespmem:$0x16400] =	vst v63  }
0x81: {  	_ =	swait.ge [sflag:s22], $0x8000  }
0x82: {  	[sflag:s22] =	ssyncset.done $0x0  }
0x83: {  	[sflag:s22] =	ssyncadd.s32 $0xFFFF8000  }
0x84: {  	[hbm4b:s9+s16] =	stream.strided.scatter [tilespmem:s25], [sflag:$0x4], $0x2000, s15, s16, $0x38;
	[tilespmem:$0x16400] =	vst v63  }
0x85: {  	_ = 	snop  }
0x86: {  	[hbm4b:s10+s16] =	stream.strided.scatter [tilespmem:s28], [sflag:$0x4], $0x2000, s15, s16, $0x38;
	[tilespmem:$0x16400] =	vst v63  }
0x87: {  	_ = 	snop  }
0x88: {  	[hbm4b:s11+s16] =	stream.strided.scatter [tilespmem:s30], [sflag:$0x4], $0x2000, s15, s16, $0x38;
	[tilespmem:$0x16400] =	vst v63  }
0x89: {  	s26 =	sadd.s32 $0x1, s26  }
0x8a: {  	[hbm4b:s12+s16] =	stream.strided.scatter [tilespmem:s0], [sflag:$0x4], $0x2000, s15, s16, $0x38;
	[tilespmem:$0x16400] =	vst v63  }
0x8b: {  	p0 =	sne.s32 s26, s13;
	_ =	swait.ge [sflag:s20], $0x8000  }
.Ltmp1:
0x8c: {  	[sflag:s20] =	ssyncset.done $0x0;
	(pc) =	sbr.rel @p0 .LBB2_1-.Ltmp1, $4  }
0x8d: {  	[sflag:s20] =	ssyncadd.s32 $0xFFFF8000  }
0x8e: {  	_ =	swait.ge [sflag:s24], $0x8000  }
0x8f: {  	[sflag:s24] =	ssyncset.done $0x0  }
0x90: {  	[sflag:s24] =	ssyncadd.s32 $0xFFFF8000  }
0x91: {  	_ =	sfence.sel $0x180000  }
0x92: {  	[bflag:$0x0] =	sbarrier.arrive $0xFFFF  }
0x93: {  	_ =	strace $0x90000047  }
0x94: {  	s0 =	stileid.u32;
	[bflag:$0x2] =	sbarrier.arrive $0xFFFF  }
0x95: {  	p0 =	sne.s32 s0, $0x0;
	s0 =	rddreg [dreg:$0x2]  }
0x96: {  	s0 =	sadd.s32 @!p0 $0x100000, s0  }
0x97: {  	[sflag:s0] =	ssyncadd.tile.s32 @!p0 $0x1;
	_ =	shalt  }
.Lfunc_end2:
_tile_overlayer_lowered:
.L_overlay_start_2:
0x98: {  	(tag) =	ssettag $0x2  }
0x99: {  	s0 =	rddreg [dreg:$0x0];
	s2 =	stileid.u32  }
0x9a: {  	s1 =	rddreg [dreg:$0x1];
	p0 =	sne.s32 s2, $0x0  }
0x9b: {  	s3 =	rddreg [dreg:$0x2];
	[bflag:$0x3] =	sbarrier.arrive $0xFFFF;
	s2 =	simm.s32 @!p0 $0x1C05  }
0x9c: {  	[timem:s3], [sflag:s2] =	dma.local @!p0 [hbm:s0], s1  }
0x9d: {  	s0 =	simm.s32 @!p0 $0x5  }
0x9e: {  	_ =	swait.ge @!p0 [sflag:s0], s1  }
0x9f: {  	s1 =	ssub.s32 @!p0 $0x0, s1;
	[sflag:s0] =	ssyncset.done @!p0 $0x0  }
0xa0: {  	[sflag:s0] =	ssyncadd.s32 @!p0 s1  }
0xa1: {  	[bflag:$0x3] =	sbarrier.arrive $0xFFFF  }
0xa2: {  	_ =	shalt  }

</sc_bundles>
